<compile_context>
chip_gen: v7x
topology: tpu7x:2x2x1
jax: 0.10.2.dev20260603
libtpu: 0.0.44.dev20260713+nightly
codegen_flags: <defaults>
</compile_context>

<pallas_src>
import jax
import jax.numpy as jnp
from jax import lax
from jax.experimental import pallas as pl
from jax.experimental.pallas import tpu as pltpu
from jax.experimental.pallas import tpu_sc as plsc

_D_N = 32
_NCELL = 512
_NW = 32
_ROWS = 8
_COLS = 2048
_UNROLL = 1
_NB = 2


def _build_ab(point_reg, mul_reg, lut_reg):
    m = point_reg.shape[0]
    ni = m - 1
    centers = (jnp.arange(_NCELL, dtype=jnp.float32) + 0.5) / 32.0 - 8.0
    index = jnp.searchsorted(point_reg[1:ni], centers, side='left')
    base = point_reg[index]
    scale = mul_reg[index]
    sp = (centers - base) * scale
    addr = jnp.floor(sp).astype(jnp.int32)
    addr = jnp.where((index == 0) | (index == ni - 1), 0, addr)
    addr = jnp.clip(addr, 0, _D_N - 1)
    ind = jnp.where(index == 0, addr, 1 + (index - 1) * _D_N + addr)
    ind = jnp.clip(ind, 0, lut_reg.shape[0] - 2)
    left = lut_reg[ind]
    right = lut_reg[ind + 1]
    a = scale * (right - left)
    b = left - (base * scale + addr.astype(jnp.float32)) * (right - left)
    return a, b


def _tile_body(x_hbm, a_hbm, b_hbm, out_hbm, a_v, b_v,
               xbuf0, xbuf1, ybuf0, ybuf1, sem_tab, sem_in, sem_out):
    xbufs = (xbuf0, xbuf1)
    ybufs = (ybuf0, ybuf1)
    nc = 2
    wid = lax.axis_index("s") * nc + lax.axis_index("c")
    rows_per_w = x_hbm.shape[0] // _NW
    nchunk = rows_per_w // _ROWS
    base = wid * rows_per_w

    pltpu.async_copy(a_hbm, a_v, sem_tab)
    pltpu.async_copy(b_hbm, b_v, sem_tab)

    pltpu.async_copy(
        x_hbm.at[pl.ds(base, _ROWS)], xbufs[0], sem_in[0])
    pltpu.make_async_copy(a_hbm, a_v, sem_tab).wait()
    pltpu.make_async_copy(b_hbm, b_v, sem_tab).wait()

    def _chunk(g, k):
        row = base + g * _ROWS
        xb = xbufs[k]
        yb = ybufs[k]
        kn = (k + 1) % _NB

        @pl.when(g + 1 < nchunk)
        def _():
            pltpu.async_copy(
                x_hbm.at[pl.ds(row + _ROWS, _ROWS)], xbufs[kn], sem_in[kn])

        pltpu.make_async_copy(
            x_hbm.at[pl.ds(row, _ROWS)], xb, sem_in[k]).wait()

        @pl.when(g >= _NB)
        def _():
            pltpu.make_async_copy(
                yb, out_hbm.at[pl.ds(row, _ROWS)], sem_out[k]).wait()

        @plsc.parallel_loop(0, _COLS // 16, unroll=_UNROLL)
        def _body(i, xb=xb, yb=yb):
            for rr in range(_ROWS):
                xv = xb[rr, pl.ds(i * 16, 16)]
                xc = jnp.minimum(jnp.maximum(xv, -8.0), 8.0)
                t = xc * 32.0 + 256.0
                u = jnp.minimum(t.astype(jnp.int32), 511)
                av = plsc.load_gather(a_v, [u])
                bv = plsc.load_gather(b_v, [u])
                yb[rr, pl.ds(i * 16, 16)] = av * xc + bv

        pltpu.async_copy(
            yb, out_hbm.at[pl.ds(row, _ROWS)], sem_out[k])

    def _trip(t, carry):
        for k in range(_NB):
            _chunk(t * _NB + k, k)
        return carry

    lax.fori_loop(0, nchunk // _NB, _trip, 0)

    for k in range(_NB):
        pltpu.make_async_copy(
            ybufs[k],
            out_hbm.at[pl.ds(base + (nchunk - _NB + k) * _ROWS, _ROWS)],
            sem_out[k]).wait()


def kernel(x, point_reg, mul_reg, lut_reg):
    a, b = _build_ab(point_reg, mul_reg, lut_reg)
    nrows = x.size // _COLS
    xr = x.reshape(nrows, _COLS)

    mesh = plsc.VectorSubcoreMesh(core_axis_name="c", subcore_axis_name="s")
    run = pl.kernel(
        _tile_body,
        out_type=jax.ShapeDtypeStruct((nrows, _COLS), jnp.float32),
        mesh=mesh,
        compiler_params=pltpu.CompilerParams(needs_layout_passes=False),
        scratch_types=[
            pltpu.VMEM((_NCELL,), jnp.float32),
            pltpu.VMEM((_NCELL,), jnp.float32),
            pltpu.VMEM((_ROWS, _COLS), jnp.float32),
            pltpu.VMEM((_ROWS, _COLS), jnp.float32),
            pltpu.VMEM((_ROWS, _COLS), jnp.float32),
            pltpu.VMEM((_ROWS, _COLS), jnp.float32),
            pltpu.SemaphoreType.DMA,
            [pltpu.SemaphoreType.DMA, pltpu.SemaphoreType.DMA],
            [pltpu.SemaphoreType.DMA, pltpu.SemaphoreType.DMA],
        ],
    )
    y = run(xr, a, b)
    return y.reshape(x.shape)

# --- scband reference (transcript-rebuilt; emitter-appended) ---
"""Pipeline reference for scband-nlifunction-7267084665409 (READ-ONLY COPY).

The authoritative reference and input builder live on the scoring server;
editing this copy changes nothing except your own understanding.
"""

import jax, jax.numpy as jnp
import numpy as np

D_N = 32
CUTPOINTS = np.array([-8.0, -6.0, -4.0, -2.0, -1.0, 0.0, 1.0, 2.0, 4.0, 6.0, 8.0], dtype=np.float32)


def _silu_np(x):
    return x / (1.0 + np.exp(-x))


def _build_lut():
    M = len(CUTPOINTS)
    num_intervals = M - 1
    point_reg = CUTPOINTS.copy().astype(np.float32)
    mul_reg = np.zeros(num_intervals, dtype=np.float32)
    for i in range(num_intervals):
        width = point_reg[i + 1] - point_reg[i]
        if width == 0:
            mul_reg[i] = 0.0
        elif i == 0 or i == num_intervals - 1:
            mul_reg[i] = 1.0 / float(width)
        else:
            mul_reg[i] = D_N / float(width)
    all_x = []
    for i in range(num_intervals):
        b_start = float(point_reg[i])
        b_end = float(point_reg[i + 1])
        num_bins = 1 if (i == 0 or i == num_intervals - 1) else D_N
        sub_points = np.linspace(b_start, b_end, num_bins + 1, dtype=np.float32)
        all_x.append(sub_points if i == 0 else sub_points[1:])
    all_x = np.concatenate(all_x)
    lut_reg = np.clip(_silu_np(all_x.astype(np.float64)).astype(np.float32), -65504.0, 65504.0)
    expected = 2 + (num_intervals - 2) * D_N + 1
    assert len(lut_reg) == expected
    return point_reg, mul_reg, lut_reg


def setup_inputs(seed: int = 0) -> dict:
    key = jax.random.key(seed)
    x = jax.random.normal(key, (2, 4096, 2048), dtype=jnp.float32) * 3.0
    pr, mr, lr = _build_lut()
    return {
        "x": x,
        "point_reg": jnp.asarray(pr),
        "mul_reg": jnp.asarray(mr),
        "lut_reg": jnp.asarray(lr),
    }


def reference(x, point_reg, mul_reg, lut_reg):
    M = point_reg.shape[0]
    num_intervals = M - 1
    D_n = D_N
    original_shape = x.shape
    # torch: x.reshape(-1).half().float()  (fp16 round-trip)
    x_flat = x.reshape(-1).astype(jnp.float16).astype(jnp.float32)
    x_clamped = jnp.clip(x_flat, point_reg[0], point_reg[M - 1])
    # torch.bucketize(right=False) == searchsorted side='left'
    index = jnp.searchsorted(point_reg[1:num_intervals], x_clamped, side='left')
    base_point = point_reg[index]
    offset = x_clamped - base_point
    scale = mul_reg[index]
    scaled_pos = offset * scale
    address = jnp.floor(scaled_pos).astype(jnp.int32)
    address = jnp.where((index == 0) | (index == num_intervals - 1), jnp.zeros_like(address), address)
    address = jnp.clip(address, 0, D_n - 1)
    decimal = jnp.clip(scaled_pos - address.astype(jnp.float32), 0.0, 1.0)
    indices = jnp.where(index == 0, address, 1 + (index - 1) * D_n + address)
    max_idx = lut_reg.shape[0] - 2
    indices = jnp.clip(indices, 0, max_idx)
    left_val = lut_reg[indices]
    right_val = lut_reg[indices + 1]
    y = left_val + decimal * (right_val - left_val)
    y = jnp.where(x_flat <= point_reg[0], lut_reg[0], y)
    y = jnp.where(x_flat >= point_reg[M - 1], lut_reg[-1], y)
    return y.reshape(original_shape)

if __name__ == "__main__":
    import jax
    _d = setup_inputs()
    print(jax.jit(kernel)(*tuple(_d.values())))

</pallas_src>

<mosaic_0001>
#map = affine_map<(d0, d1) -> (0, 0)>
#map1 = affine_map<(d0, d1) -> (0)>
module attributes {stable_mosaic.version = 14 : i64} {
  func.func @_tile_body(%arg0: i32, %arg1: i32, %arg2: memref<8192x2048xf32, #tpu.memory_space<hbm>>, %arg3: memref<512xf32, #tpu.memory_space<hbm>>, %arg4: memref<512xf32, #tpu.memory_space<hbm>>, %arg5: memref<8192x2048xf32, #tpu.memory_space<hbm>>, %arg6: memref<512xf32, #tpu.memory_space<vmem>>, %arg7: memref<512xf32, #tpu.memory_space<vmem>>, %arg8: memref<8x2048xf32, #tpu.memory_space<vmem>>, %arg9: memref<8x2048xf32, #tpu.memory_space<vmem>>, %arg10: memref<8x2048xf32, #tpu.memory_space<vmem>>, %arg11: memref<8x2048xf32, #tpu.memory_space<vmem>>, %arg12: memref<!tpu.dma_semaphore, #tpu.memory_space<semaphore_mem>>, %arg13: memref<!tpu.dma_semaphore, #tpu.memory_space<semaphore_mem>>, %arg14: memref<!tpu.dma_semaphore, #tpu.memory_space<semaphore_mem>>, %arg15: memref<!tpu.dma_semaphore, #tpu.memory_space<semaphore_mem>>, %arg16: memref<!tpu.dma_semaphore, #tpu.memory_space<semaphore_mem>>) attributes {dimension_semantics = [#tpu.dimension_semantics<core_parallel>, #tpu.dimension_semantics<subcore_parallel>], iteration_bounds = array<i64: 2, 16>, scalar_prefetch = 0 : i64, scratch_operands = 11 : i64, tpu.core_type = #tpu.core_type<sc_vector_subcore>, window_params = [{transform_indices = #map}, {transform_indices = #map1}, {transform_indices = #map1}, {transform_indices = #map}]} {
    %mul3A = arith.constant 2 : i32
    %mul3A_0 = arith.muli %arg1, %mul3A : i32
    %add3A = arith.addi %mul3A_0, %arg0 : i32
    %mul3A_1 = arith.constant 256 : i32
    %mul3A_2 = arith.muli %add3A, %mul3A_1 : i32
    tpu.enqueue_dma source(%arg3 : memref<512xf32, #tpu.memory_space<hbm>>) target(%arg6 : memref<512xf32, #tpu.memory_space<vmem>>) target_semaphore(%arg12 : memref<!tpu.dma_semaphore, #tpu.memory_space<semaphore_mem>>)
    tpu.enqueue_dma source(%arg4 : memref<512xf32, #tpu.memory_space<hbm>>) target(%arg7 : memref<512xf32, #tpu.memory_space<vmem>>) target_semaphore(%arg12 : memref<!tpu.dma_semaphore, #tpu.memory_space<semaphore_mem>>)
    %dma_start3A = arith.constant 0 : i32
    %dma_start3A_3 = tpu.memref_slice %arg2[%mul3A_2, %dma_start3A] : memref<8192x2048xf32, #tpu.memory_space<hbm>> -> memref<8x2048xf32, #tpu.memory_space<hbm>>
    %dma_start3A_4 = arith.constant 0 : i32
    %dma_start3A_5 = tpu.memref_slice %arg2[%mul3A_2, %dma_start3A_4] : memref<8192x2048xf32, #tpu.memory_space<hbm>> -> memref<8x2048xf32, #tpu.memory_space<hbm>>
    tpu.enqueue_dma source(%dma_start3A_5 : memref<8x2048xf32, #tpu.memory_space<hbm>>) target(%arg8 : memref<8x2048xf32, #tpu.memory_space<vmem>>) target_semaphore(%arg13 : memref<!tpu.dma_semaphore, #tpu.memory_space<semaphore_mem>>)
    tpu.wait_dma2 semaphore(%arg12 : memref<!tpu.dma_semaphore, #tpu.memory_space<semaphore_mem>>) src(%arg3 : memref<512xf32, #tpu.memory_space<hbm>>) dst(%arg6 : memref<512xf32, #tpu.memory_space<vmem>>)
    tpu.wait_dma2 semaphore(%arg12 : memref<!tpu.dma_semaphore, #tpu.memory_space<semaphore_mem>>) src(%arg4 : memref<512xf32, #tpu.memory_space<hbm>>) dst(%arg7 : memref<512xf32, #tpu.memory_space<vmem>>)
    %scan3A = arith.constant 0 : i32
    %scan3A_6 = arith.constant 0 : i32
    %scan3A_7 = arith.constant 16 : i32
    %scan3A_8 = arith.addi %scan3A_6, %scan3A_7 : i32
    %scan3A_9 = arith.constant 1 : i32
    scf.for %scan3A_22 = %scan3A_6 to %scan3A_8 step %scan3A_9  : i32 {
      %mul3A_23 = arith.constant 2 : i32
      %mul3A_24 = arith.muli %scan3A_22, %mul3A_23 : i32
      %add3A_25 = arith.constant 0 : i32
      %add3A_26 = arith.addi %mul3A_24, %add3A_25 : i32
      %mul3A_27 = arith.constant 8 : i32
      %mul3A_28 = arith.muli %add3A_26, %mul3A_27 : i32
      %add3A_29 = arith.addi %mul3A_2, %mul3A_28 : i32
      %add3A_30 = arith.constant 1 : i32
      %add3A_31 = arith.addi %add3A_26, %add3A_30 : i32
      %lt3A = arith.constant 32 : i32
      %lt3A_32 = arith.cmpi slt, %add3A_31, %lt3A : i32
      %convert_element_type3A = arith.extui %lt3A_32 : i1 to i32
      %cond3A = arith.constant 0 : i32
      %cond3A_33 = arith.cmpi ne, %convert_element_type3A, %cond3A : i32
      scf.if %cond3A_33 {
        %add3A_78 = arith.constant 8 : i32
        %add3A_79 = arith.addi %add3A_29, %add3A_78 : i32
        %dma_start3A_80 = arith.constant 0 : i32
        %dma_start3A_81 = tpu.memref_slice %arg2[%add3A_79, %dma_start3A_80] : memref<8192x2048xf32, #tpu.memory_space<hbm>> -> memref<8x2048xf32, #tpu.memory_space<hbm>>
        %dma_start3A_82 = arith.constant 0 : i32
        %dma_start3A_83 = tpu.memref_slice %arg2[%add3A_79, %dma_start3A_82] : memref<8192x2048xf32, #tpu.memory_space<hbm>> -> memref<8x2048xf32, #tpu.memory_space<hbm>>
        tpu.enqueue_dma source(%dma_start3A_83 : memref<8x2048xf32, #tpu.memory_space<hbm>>) target(%arg9 : memref<8x2048xf32, #tpu.memory_space<vmem>>) target_semaphore(%arg14 : memref<!tpu.dma_semaphore, #tpu.memory_space<semaphore_mem>>)
      } else {
      }
      %dma_wait3A_34 = arith.constant 0 : i32
      %dma_wait3A_35 = tpu.memref_slice %arg2[%add3A_29, %dma_wait3A_34] : memref<8192x2048xf32, #tpu.memory_space<hbm>> -> memref<8x2048xf32, #tpu.memory_space<hbm>>
      %dma_wait3A_36 = arith.constant 0 : i32
      %dma_wait3A_37 = tpu.memref_slice %arg2[%add3A_29, %dma_wait3A_36] : memref<8192x2048xf32, #tpu.memory_space<hbm>> -> memref<8x2048xf32, #tpu.memory_space<hbm>>
      tpu.wait_dma2 semaphore(%arg13 : memref<!tpu.dma_semaphore, #tpu.memory_space<semaphore_mem>>) src(%dma_wait3A_37 : memref<8x2048xf32, #tpu.memory_space<hbm>>) dst(%arg8 : memref<8x2048xf32, #tpu.memory_space<vmem>>)
      %ge3A = arith.constant 2 : i32
      %ge3A_38 = arith.cmpi sge, %add3A_26, %ge3A : i32
      %convert_element_type3A_39 = arith.extui %ge3A_38 : i1 to i32
      %cond3A_40 = arith.constant 0 : i32
      %cond3A_41 = arith.cmpi ne, %convert_element_type3A_39, %cond3A_40 : i32
      scf.if %cond3A_41 {
        %dma_wait3A_78 = arith.constant 0 : i32
        %dma_wait3A_79 = tpu.memref_slice %arg5[%add3A_29, %dma_wait3A_78] : memref<8192x2048xf32, #tpu.memory_space<hbm>> -> memref<8x2048xf32, #tpu.memory_space<hbm>>
        %dma_wait3A_80 = arith.constant 0 : i32
        %dma_wait3A_81 = tpu.memref_slice %arg5[%add3A_29, %dma_wait3A_80] : memref<8192x2048xf32, #tpu.memory_space<hbm>> -> memref<8x2048xf32, #tpu.memory_space<hbm>>
        tpu.wait_dma2 semaphore(%arg15 : memref<!tpu.dma_semaphore, #tpu.memory_space<semaphore_mem>>) src(%arg10 : memref<8x2048xf32, #tpu.memory_space<vmem>>) dst(%dma_wait3A_81 : memref<8x2048xf32, #tpu.memory_space<hbm>>)
      } else {
      }
      %parallel_loop3A = arith.constant 0 : i32
      %parallel_loop3A_42 = arith.constant 128 : i32
      %parallel_loop3A_43 = arith.constant 1 : i32
      scf.for %parallel_loop3A_78 = %parallel_loop3A to %parallel_loop3A_42 step %parallel_loop3A_43  : i32 {
        %parallel_loop3A_79 = arith.constant 16 : i32
        %parallel_loop3A_80 = arith.muli %parallel_loop3A_78, %parallel_loop3A_79 : i32
        %parallel_loop3A_81 = arith.constant 0 : i32
        %parallel_loop3A_82 = arith.index_cast %parallel_loop3A_81 : i32 to index
        %parallel_loop3A_83 = arith.index_cast %parallel_loop3A_80 : i32 to index
        %parallel_loop3A_84 = tpu.vector_load %arg8[%parallel_loop3A_82, %parallel_loop3A_83] {strides = array<i32>} : memref<8x2048xf32, #tpu.memory_space<vmem>>, vector<16xf32>,
        %parallel_loop3A_85 = arith.constant -8.000000e+00 : f32
        %parallel_loop3A_86 = vector.broadcast %parallel_loop3A_85 : f32 to vector<16xf32>
        %parallel_loop3A_87 = arith.maximumf %parallel_loop3A_84, %parallel_loop3A_86 : vector<16xf32>
        %parallel_loop3A_88 = arith.constant 8.000000e+00 : f32
        %parallel_loop3A_89 = vector.broadcast %parallel_loop3A_88 : f32 to vector<16xf32>
        %parallel_loop3A_90 = arith.minimumf %parallel_loop3A_87, %parallel_loop3A_89 : vector<16xf32>
        %parallel_loop3A_91 = arith.constant 3.200000e+01 : f32
        %parallel_loop3A_92 = vector.broadcast %parallel_loop3A_91 : f32 to vector<16xf32>
        %parallel_loop3A_93 = arith.mulf %parallel_loop3A_90, %parallel_loop3A_92 : vector<16xf32>
        %parallel_loop3A_94 = arith.constant 2.560000e+02 : f32
        %parallel_loop3A_95 = vector.broadcast %parallel_loop3A_94 : f32 to vector<16xf32>
        %parallel_loop3A_96 = arith.addf %parallel_loop3A_93, %parallel_loop3A_95 : vector<16xf32>
        %parallel_loop3A_97 = arith.fptosi %parallel_loop3A_96 : vector<16xf32> to vector<16xi32>
        %parallel_loop3A_98 = arith.constant 511 : i32
        %parallel_loop3A_99 = vector.broadcast %parallel_loop3A_98 : i32 to vector<16xi32>
        %parallel_loop3A_100 = arith.minsi %parallel_loop3A_97, %parallel_loop3A_99 : vector<16xi32>
        %parallel_loop3A_101 = tpu.vector_load_idx %arg6[%parallel_loop3A_100] : memref<512xf32, #tpu.memory_space<vmem>>[vector<16xi32>], vector<16xf32>,
        %parallel_loop3A_102 = tpu.vector_load_idx %arg7[%parallel_loop3A_100] : memref<512xf32, #tpu.memory_space<vmem>>[vector<16xi32>], vector<16xf32>,
        %parallel_loop3A_103 = arith.mulf %parallel_loop3A_101, %parallel_loop3A_90 : vector<16xf32>
        %parallel_loop3A_104 = arith.addf %parallel_loop3A_103, %parallel_loop3A_102 : vector<16xf32>
        %parallel_loop3A_105 = arith.constant 16 : i32
        %parallel_loop3A_106 = arith.muli %parallel_loop3A_78, %parallel_loop3A_105 : i32
        %parallel_loop3A_107 = arith.constant 0 : i32
        %parallel_loop3A_108 = arith.index_cast %parallel_loop3A_107 : i32 to index
        %parallel_loop3A_109 = arith.index_cast %parallel_loop3A_106 : i32 to index
        %parallel_loop3A_110 = tpu.vector_load %arg10[%parallel_loop3A_108, %parallel_loop3A_109] {strides = array<i32>} : memref<8x2048xf32, #tpu.memory_space<vmem>>, vector<16xf32>,
        tpu.vector_store %arg10[%parallel_loop3A_108, %parallel_loop3A_109], %parallel_loop3A_104 {strides = array<i32>} : memref<8x2048xf32, #tpu.memory_space<vmem>>, vector<16xf32>,
        %parallel_loop3A_111 = arith.constant 16 : i32
        %parallel_loop3A_112 = arith.muli %parallel_loop3A_78, %parallel_loop3A_111 : i32
        %parallel_loop3A_113 = arith.constant 1 : i32
        %parallel_loop3A_114 = arith.index_cast %parallel_loop3A_113 : i32 to index
        %parallel_loop3A_115 = arith.index_cast %parallel_loop3A_112 : i32 to index
        %parallel_loop3A_116 = tpu.vector_load %arg8[%parallel_loop3A_114, %parallel_loop3A_115] {strides = array<i32>} : memref<8x2048xf32, #tpu.memory_space<vmem>>, vector<16xf32>,
        %parallel_loop3A_117 = arith.constant -8.000000e+00 : f32
        %parallel_loop3A_118 = vector.broadcast %parallel_loop3A_117 : f32 to vector<16xf32>
        %parallel_loop3A_119 = arith.maximumf %parallel_loop3A_116, %parallel_loop3A_118 : vector<16xf32>
        %parallel_loop3A_120 = arith.constant 8.000000e+00 : f32
        %parallel_loop3A_121 = vector.broadcast %parallel_loop3A_120 : f32 to vector<16xf32>
        %parallel_loop3A_122 = arith.minimumf %parallel_loop3A_119, %parallel_loop3A_121 : vector<16xf32>
        %parallel_loop3A_123 = arith.constant 3.200000e+01 : f32
        %parallel_loop3A_124 = vector.broadcast %parallel_loop3A_123 : f32 to vector<16xf32>
        %parallel_loop3A_125 = arith.mulf %parallel_loop3A_122, %parallel_loop3A_124 : vector<16xf32>
        %parallel_loop3A_126 = arith.constant 2.560000e+02 : f32
        %parallel_loop3A_127 = vector.broadcast %parallel_loop3A_126 : f32 to vector<16xf32>
        %parallel_loop3A_128 = arith.addf %parallel_loop3A_125, %parallel_loop3A_127 : vector<16xf32>
        %parallel_loop3A_129 = arith.fptosi %parallel_loop3A_128 : vector<16xf32> to vector<16xi32>
        %parallel_loop3A_130 = arith.constant 511 : i32
        %parallel_loop3A_131 = vector.broadcast %parallel_loop3A_130 : i32 to vector<16xi32>
        %parallel_loop3A_132 = arith.minsi %parallel_loop3A_129, %parallel_loop3A_131 : vector<16xi32>
        %parallel_loop3A_133 = tpu.vector_load_idx %arg6[%parallel_loop3A_132] : memref<512xf32, #tpu.memory_space<vmem>>[vector<16xi32>], vector<16xf32>,
        %parallel_loop3A_134 = tpu.vector_load_idx %arg7[%parallel_loop3A_132] : memref<512xf32, #tpu.memory_space<vmem>>[vector<16xi32>], vector<16xf32>,
        %parallel_loop3A_135 = arith.mulf %parallel_loop3A_133, %parallel_loop3A_122 : vector<16xf32>
        %parallel_loop3A_136 = arith.addf %parallel_loop3A_135, %parallel_loop3A_134 : vector<16xf32>
        %parallel_loop3A_137 = arith.constant 16 : i32
        %parallel_loop3A_138 = arith.muli %parallel_loop3A_78, %parallel_loop3A_137 : i32
        %parallel_loop3A_139 = arith.constant 1 : i32
        %parallel_loop3A_140 = arith.index_cast %parallel_loop3A_139 : i32 to index
        %parallel_loop3A_141 = arith.index_cast %parallel_loop3A_138 : i32 to index
        %parallel_loop3A_142 = tpu.vector_load %arg10[%parallel_loop3A_140, %parallel_loop3A_141] {strides = array<i32>} : memref<8x2048xf32, #tpu.memory_space<vmem>>, vector<16xf32>,
        tpu.vector_store %arg10[%parallel_loop3A_140, %parallel_loop3A_141], %parallel_loop3A_136 {strides = array<i32>} : memref<8x2048xf32, #tpu.memory_space<vmem>>, vector<16xf32>,
        %parallel_loop3A_143 = arith.constant 16 : i32
        %parallel_loop3A_144 = arith.muli %parallel_loop3A_78, %parallel_loop3A_143 : i32
        %parallel_loop3A_145 = arith.constant 2 : i32
        %parallel_loop3A_146 = arith.index_cast %parallel_loop3A_145 : i32 to index
        %parallel_loop3A_147 = arith.index_cast %parallel_loop3A_144 : i32 to index
        %parallel_loop3A_148 = tpu.vector_load %arg8[%parallel_loop3A_146, %parallel_loop3A_147] {strides = array<i32>} : memref<8x2048xf32, #tpu.memory_space<vmem>>, vector<16xf32>,
        %parallel_loop3A_149 = arith.constant -8.000000e+00 : f32
        %parallel_loop3A_150 = vector.broadcast %parallel_loop3A_149 : f32 to vector<16xf32>
        %parallel_loop3A_151 = arith.maximumf %parallel_loop3A_148, %parallel_loop3A_150 : vector<16xf32>
        %parallel_loop3A_152 = arith.constant 8.000000e+00 : f32
        %parallel_loop3A_153 = vector.broadcast %parallel_loop3A_152 : f32 to vector<16xf32>
        %parallel_loop3A_154 = arith.minimumf %parallel_loop3A_151, %parallel_loop3A_153 : vector<16xf32>
        %parallel_loop3A_155 = arith.constant 3.200000e+01 : f32
        %parallel_loop3A_156 = vector.broadcast %parallel_loop3A_155 : f32 to vector<16xf32>
        %parallel_loop3A_157 = arith.mulf %parallel_loop3A_154, %parallel_loop3A_156 : vector<16xf32>
        %parallel_loop3A_158 = arith.constant 2.560000e+02 : f32
        %parallel_loop3A_159 = vector.broadcast %parallel_loop3A_158 : f32 to vector<16xf32>
        %parallel_loop3A_160 = arith.addf %parallel_loop3A_157, %parallel_loop3A_159 : vector<16xf32>
        %parallel_loop3A_161 = arith.fptosi %parallel_loop3A_160 : vector<16xf32> to vector<16xi32>
        %parallel_loop3A_162 = arith.constant 511 : i32
        %parallel_loop3A_163 = vector.broadcast %parallel_loop3A_162 : i32 to vector<16xi32>
        %parallel_loop3A_164 = arith.minsi %parallel_loop3A_161, %parallel_loop3A_163 : vector<16xi32>
        %parallel_loop3A_165 = tpu.vector_load_idx %arg6[%parallel_loop3A_164] : memref<512xf32, #tpu.memory_space<vmem>>[vector<16xi32>], vector<16xf32>,
        %parallel_loop3A_166 = tpu.vector_load_idx %arg7[%parallel_loop3A_164] : memref<512xf32, #tpu.memory_space<vmem>>[vector<16xi32>], vector<16xf32>,
        %parallel_loop3A_167 = arith.mulf %parallel_loop3A_165, %parallel_loop3A_154 : vector<16xf32>
        %parallel_loop3A_168 = arith.addf %parallel_loop3A_167, %parallel_loop3A_166 : vector<16xf32>
        %parallel_loop3A_169 = arith.constant 16 : i32
        %parallel_loop3A_170 = arith.muli %parallel_loop3A_78, %parallel_loop3A_169 : i32
        %parallel_loop3A_171 = arith.constant 2 : i32
        %parallel_loop3A_172 = arith.index_cast %parallel_loop3A_171 : i32 to index
        %parallel_loop3A_173 = arith.index_cast %parallel_loop3A_170 : i32 to index
        %parallel_loop3A_174 = tpu.vector_load %arg10[%parallel_loop3A_172, %parallel_loop3A_173] {strides = array<i32>} : memref<8x2048xf32, #tpu.memory_space<vmem>>, vector<16xf32>,
        tpu.vector_store %arg10[%parallel_loop3A_172, %parallel_loop3A_173], %parallel_loop3A_168 {strides = array<i32>} : memref<8x2048xf32, #tpu.memory_space<vmem>>, vector<16xf32>,
        %parallel_loop3A_175 = arith.constant 16 : i32
        %parallel_loop3A_176 = arith.muli %parallel_loop3A_78, %parallel_loop3A_175 : i32
        %parallel_loop3A_177 = arith.constant 3 : i32
        %parallel_loop3A_178 = arith.index_cast %parallel_loop3A_177 : i32 to index
        %parallel_loop3A_179 = arith.index_cast %parallel_loop3A_176 : i32 to index
        %parallel_loop3A_180 = tpu.vector_load %arg8[%parallel_loop3A_178, %parallel_loop3A_179] {strides = array<i32>} : memref<8x2048xf32, #tpu.memory_space<vmem>>, vector<16xf32>,
        %parallel_loop3A_181 = arith.constant -8.000000e+00 : f32
        %parallel_loop3A_182 = vector.broadcast %parallel_loop3A_181 : f32 to vector<16xf32>
        %parallel_loop3A_183 = arith.maximumf %parallel_loop3A_180, %parallel_loop3A_182 : vector<16xf32>
        %parallel_loop3A_184 = arith.constant 8.000000e+00 : f32
        %parallel_loop3A_185 = vector.broadcast %parallel_loop3A_184 : f32 to vector<16xf32>
        %parallel_loop3A_186 = arith.minimumf %parallel_loop3A_183, %parallel_loop3A_185 : vector<16xf32>
        %parallel_loop3A_187 = arith.constant 3.200000e+01 : f32
        %parallel_loop3A_188 = vector.broadcast %parallel_loop3A_187 : f32 to vector<16xf32>
        %parallel_loop3A_189 = arith.mulf %parallel_loop3A_186, %parallel_loop3A_188 : vector<16xf32>
        %parallel_loop3A_190 = arith.constant 2.560000e+02 : f32
        %parallel_loop3A_191 = vector.broadcast %parallel_loop3A_190 : f32 to vector<16xf32>
        %parallel_loop3A_192 = arith.addf %parallel_loop3A_189, %parallel_loop3A_191 : vector<16xf32>
        %parallel_loop3A_193 = arith.fptosi %parallel_loop3A_192 : vector<16xf32> to vector<16xi32>
        %parallel_loop3A_194 = arith.constant 511 : i32
        %parallel_loop3A_195 = vector.broadcast %parallel_loop3A_194 : i32 to vector<16xi32>
        %parallel_loop3A_196 = arith.minsi %parallel_loop3A_193, %parallel_loop3A_195 : vector<16xi32>
        %parallel_loop3A_197 = tpu.vector_load_idx %arg6[%parallel_loop3A_196] : memref<512xf32, #tpu.memory_space<vmem>>[vector<16xi32>], vector<16xf32>,
        %parallel_loop3A_198 = tpu.vector_load_idx %arg7[%parallel_loop3A_196] : memref<512xf32, #tpu.memory_space<vmem>>[vector<16xi32>], vector<16xf32>,
        %parallel_loop3A_199 = arith.mulf %parallel_loop3A_197, %parallel_loop3A_186 : vector<16xf32>
        %parallel_loop3A_200 = arith.addf %parallel_loop3A_199, %parallel_loop3A_198 : vector<16xf32>
        %parallel_loop3A_201 = arith.constant 16 : i32
        %parallel_loop3A_202 = arith.muli %parallel_loop3A_78, %parallel_loop3A_201 : i32
        %parallel_loop3A_203 = arith.constant 3 : i32
        %parallel_loop3A_204 = arith.index_cast %parallel_loop3A_203 : i32 to index
        %parallel_loop3A_205 = arith.index_cast %parallel_loop3A_202 : i32 to index
        %parallel_loop3A_206 = tpu.vector_load %arg10[%parallel_loop3A_204, %parallel_loop3A_205] {strides = array<i32>} : memref<8x2048xf32, #tpu.memory_space<vmem>>, vector<16xf32>,
        tpu.vector_store %arg10[%parallel_loop3A_204, %parallel_loop3A_205], %parallel_loop3A_200 {strides = array<i32>} : memref<8x2048xf32, #tpu.memory_space<vmem>>, vector<16xf32>,
        %parallel_loop3A_207 = arith.constant 16 : i32
        %parallel_loop3A_208 = arith.muli %parallel_loop3A_78, %parallel_loop3A_207 : i32
        %parallel_loop3A_209 = arith.constant 4 : i32
        %parallel_loop3A_210 = arith.index_cast %parallel_loop3A_209 : i32 to index
        %parallel_loop3A_211 = arith.index_cast %parallel_loop3A_208 : i32 to index
        %parallel_loop3A_212 = tpu.vector_load %arg8[%parallel_loop3A_210, %parallel_loop3A_211] {strides = array<i32>} : memref<8x2048xf32, #tpu.memory_space<vmem>>, vector<16xf32>,
        %parallel_loop3A_213 = arith.constant -8.000000e+00 : f32
        %parallel_loop3A_214 = vector.broadcast %parallel_loop3A_213 : f32 to vector<16xf32>
        %parallel_loop3A_215 = arith.maximumf %parallel_loop3A_212, %parallel_loop3A_214 : vector<16xf32>
        %parallel_loop3A_216 = arith.constant 8.000000e+00 : f32
        %parallel_loop3A_217 = vector.broadcast %parallel_loop3A_216 : f32 to vector<16xf32>
        %parallel_loop3A_218 = arith.minimumf %parallel_loop3A_215, %parallel_loop3A_217 : vector<16xf32>
        %parallel_loop3A_219 = arith.constant 3.200000e+01 : f32
        %parallel_loop3A_220 = vector.broadcast %parallel_loop3A_219 : f32 to vector<16xf32>
        %parallel_loop3A_221 = arith.mulf %parallel_loop3A_218, %parallel_loop3A_220 : vector<16xf32>
        %parallel_loop3A_222 = arith.constant 2.560000e+02 : f32
        %parallel_loop3A_223 = vector.broadcast %parallel_loop3A_222 : f32 to vector<16xf32>
        %parallel_loop3A_224 = arith.addf %parallel_loop3A_221, %parallel_loop3A_223 : vector<16xf32>
        %parallel_loop3A_225 = arith.fptosi %parallel_loop3A_224 : vector<16xf32> to vector<16xi32>
        %parallel_loop3A_226 = arith.constant 511 : i32
        %parallel_loop3A_227 = vector.broadcast %parallel_loop3A_226 : i32 to vector<16xi32>
        %parallel_loop3A_228 = arith.minsi %parallel_loop3A_225, %parallel_loop3A_227 : vector<16xi32>
        %parallel_loop3A_229 = tpu.vector_load_idx %arg6[%parallel_loop3A_228] : memref<512xf32, #tpu.memory_space<vmem>>[vector<16xi32>], vector<16xf32>,
        %parallel_loop3A_230 = tpu.vector_load_idx %arg7[%parallel_loop3A_228] : memref<512xf32, #tpu.memory_space<vmem>>[vector<16xi32>], vector<16xf32>,
        %parallel_loop3A_231 = arith.mulf %parallel_loop3A_229, %parallel_loop3A_218 : vector<16xf32>
        %parallel_loop3A_232 = arith.addf %parallel_loop3A_231, %parallel_loop3A_230 : vector<16xf32>
        %parallel_loop3A_233 = arith.constant 16 : i32
        %parallel_loop3A_234 = arith.muli %parallel_loop3A_78, %parallel_loop3A_233 : i32
        %parallel_loop3A_235 = arith.constant 4 : i32
        %parallel_loop3A_236 = arith.index_cast %parallel_loop3A_235 : i32 to index
        %parallel_loop3A_237 = arith.index_cast %parallel_loop3A_234 : i32 to index
        %parallel_loop3A_238 = tpu.vector_load %arg10[%parallel_loop3A_236, %parallel_loop3A_237] {strides = array<i32>} : memref<8x2048xf32, #tpu.memory_space<vmem>>, vector<16xf32>,
        tpu.vector_store %arg10[%parallel_loop3A_236, %parallel_loop3A_237], %parallel_loop3A_232 {strides = array<i32>} : memref<8x2048xf32, #tpu.memory_space<vmem>>, vector<16xf32>,
        %parallel_loop3A_239 = arith.constant 16 : i32
        %parallel_loop3A_240 = arith.muli %parallel_loop3A_78, %parallel_loop3A_239 : i32
        %parallel_loop3A_241 = arith.constant 5 : i32
        %parallel_loop3A_242 = arith.index_cast %parallel_loop3A_241 : i32 to index
        %parallel_loop3A_243 = arith.index_cast %parallel_loop3A_240 : i32 to index
        %parallel_loop3A_244 = tpu.vector_load %arg8[%parallel_loop3A_242, %parallel_loop3A_243] {strides = array<i32>} : memref<8x2048xf32, #tpu.memory_space<vmem>>, vector<16xf32>,
        %parallel_loop3A_245 = arith.constant -8.000000e+00 : f32
        %parallel_loop3A_246 = vector.broadcast %parallel_loop3A_245 : f32 to vector<16xf32>
        %parallel_loop3A_247 = arith.maximumf %parallel_loop3A_244, %parallel_loop3A_246 : vector<16xf32>
        %parallel_loop3A_248 = arith.constant 8.000000e+00 : f32
        %parallel_loop3A_249 = vector.broadcast %parallel_loop3A_248 : f32 to vector<16xf32>
        %parallel_loop3A_250 = arith.minimumf %parallel_loop3A_247, %parallel_loop3A_249 : vector<16xf32>
        %parallel_loop3A_251 = arith.constant 3.200000e+01 : f32
        %parallel_loop3A_252 = vector.broadcast %parallel_loop3A_251 : f32 to vector<16xf32>
        %parallel_loop3A_253 = arith.mulf %parallel_loop3A_250, %parallel_loop3A_252 : vector<16xf32>
        %parallel_loop3A_254 = arith.constant 2.560000e+02 : f32
        %parallel_loop3A_255 = vector.broadcast %parallel_loop3A_254 : f32 to vector<16xf32>
        %parallel_loop3A_256 = arith.addf %parallel_loop3A_253, %parallel_loop3A_255 : vector<16xf32>
        %parallel_loop3A_257 = arith.fptosi %parallel_loop3A_256 : vector<16xf32> to vector<16xi32>
        %parallel_loop3A_258 = arith.constant 511 : i32
        %parallel_loop3A_259 = vector.broadcast %parallel_loop3A_258 : i32 to vector<16xi32>
        %parallel_loop3A_260 = arith.minsi %parallel_loop3A_257, %parallel_loop3A_259 : vector<16xi32>
        %parallel_loop3A_261 = tpu.vector_load_idx %arg6[%parallel_loop3A_260] : memref<512xf32, #tpu.memory_space<vmem>>[vector<16xi32>], vector<16xf32>,
        %parallel_loop3A_262 = tpu.vector_load_idx %arg7[%parallel_loop3A_260] : memref<512xf32, #tpu.memory_space<vmem>>[vector<16xi32>], vector<16xf32>,
        %parallel_loop3A_263 = arith.mulf %parallel_loop3A_261, %parallel_loop3A_250 : vector<16xf32>
        %parallel_loop3A_264 = arith.addf %parallel_loop3A_263, %parallel_loop3A_262 : vector<16xf32>
        %parallel_loop3A_265 = arith.constant 16 : i32
        %parallel_loop3A_266 = arith.muli %parallel_loop3A_78, %parallel_loop3A_265 : i32
        %parallel_loop3A_267 = arith.constant 5 : i32
        %parallel_loop3A_268 = arith.index_cast %parallel_loop3A_267 : i32 to index
        %parallel_loop3A_269 = arith.index_cast %parallel_loop3A_266 : i32 to index
        %parallel_loop3A_270 = tpu.vector_load %arg10[%parallel_loop3A_268, %parallel_loop3A_269] {strides = array<i32>} : memref<8x2048xf32, #tpu.memory_space<vmem>>, vector<16xf32>,
        tpu.vector_store %arg10[%parallel_loop3A_268, %parallel_loop3A_269], %parallel_loop3A_264 {strides = array<i32>} : memref<8x2048xf32, #tpu.memory_space<vmem>>, vector<16xf32>,
        %parallel_loop3A_271 = arith.constant 16 : i32
        %parallel_loop3A_272 = arith.muli %parallel_loop3A_78, %parallel_loop3A_271 : i32
        %parallel_loop3A_273 = arith.constant 6 : i32
        %parallel_loop3A_274 = arith.index_cast %parallel_loop3A_273 : i32 to index
        %parallel_loop3A_275 = arith.index_cast %parallel_loop3A_272 : i32 to index
        %parallel_loop3A_276 = tpu.vector_load %arg8[%parallel_loop3A_274, %parallel_loop3A_275] {strides = array<i32>} : memref<8x2048xf32, #tpu.memory_space<vmem>>, vector<16xf32>,
        %parallel_loop3A_277 = arith.constant -8.000000e+00 : f32
        %parallel_loop3A_278 = vector.broadcast %parallel_loop3A_277 : f32 to vector<16xf32>
        %parallel_loop3A_279 = arith.maximumf %parallel_loop3A_276, %parallel_loop3A_278 : vector<16xf32>
        %parallel_loop3A_280 = arith.constant 8.000000e+00 : f32
        %parallel_loop3A_281 = vector.broadcast %parallel_loop3A_280 : f32 to vector<16xf32>
        %parallel_loop3A_282 = arith.minimumf %parallel_loop3A_279, %parallel_loop3A_281 : vector<16xf32>
        %parallel_loop3A_283 = arith.constant 3.200000e+01 : f32
        %parallel_loop3A_284 = vector.broadcast %parallel_loop3A_283 : f32 to vector<16xf32>
        %parallel_loop3A_285 = arith.mulf %parallel_loop3A_282, %parallel_loop3A_284 : vector<16xf32>
        %parallel_loop3A_286 = arith.constant 2.560000e+02 : f32
        %parallel_loop3A_287 = vector.broadcast %parallel_loop3A_286 : f32 to vector<16xf32>
        %parallel_loop3A_288 = arith.addf %parallel_loop3A_285, %parallel_loop3A_287 : vector<16xf32>
        %parallel_loop3A_289 = arith.fptosi %parallel_loop3A_288 : vector<16xf32> to vector<16xi32>
        %parallel_loop3A_290 = arith.constant 511 : i32
        %parallel_loop3A_291 = vector.broadcast %parallel_loop3A_290 : i32 to vector<16xi32>
        %parallel_loop3A_292 = arith.minsi %parallel_loop3A_289, %parallel_loop3A_291 : vector<16xi32>
        %parallel_loop3A_293 = tpu.vector_load_idx %arg6[%parallel_loop3A_292] : memref<512xf32, #tpu.memory_space<vmem>>[vector<16xi32>], vector<16xf32>,
        %parallel_loop3A_294 = tpu.vector_load_idx %arg7[%parallel_loop3A_292] : memref<512xf32, #tpu.memory_space<vmem>>[vector<16xi32>], vector<16xf32>,
        %parallel_loop3A_295 = arith.mulf %parallel_loop3A_293, %parallel_loop3A_282 : vector<16xf32>
        %parallel_loop3A_296 = arith.addf %parallel_loop3A_295, %parallel_loop3A_294 : vector<16xf32>
        %parallel_loop3A_297 = arith.constant 16 : i32
        %parallel_loop3A_298 = arith.muli %parallel_loop3A_78, %parallel_loop3A_297 : i32
        %parallel_loop3A_299 = arith.constant 6 : i32
        %parallel_loop3A_300 = arith.index_cast %parallel_loop3A_299 : i32 to index
        %parallel_loop3A_301 = arith.index_cast %parallel_loop3A_298 : i32 to index
        %parallel_loop3A_302 = tpu.vector_load %arg10[%parallel_loop3A_300, %parallel_loop3A_301] {strides = array<i32>} : memref<8x2048xf32, #tpu.memory_space<vmem>>, vector<16xf32>,
        tpu.vector_store %arg10[%parallel_loop3A_300, %parallel_loop3A_301], %parallel_loop3A_296 {strides = array<i32>} : memref<8x2048xf32, #tpu.memory_space<vmem>>, vector<16xf32>,
        %parallel_loop3A_303 = arith.constant 16 : i32
        %parallel_loop3A_304 = arith.muli %parallel_loop3A_78, %parallel_loop3A_303 : i32
        %parallel_loop3A_305 = arith.constant 7 : i32
        %parallel_loop3A_306 = arith.index_cast %parallel_loop3A_305 : i32 to index
        %parallel_loop3A_307 = arith.index_cast %parallel_loop3A_304 : i32 to index
        %parallel_loop3A_308 = tpu.vector_load %arg8[%parallel_loop3A_306, %parallel_loop3A_307] {strides = array<i32>} : memref<8x2048xf32, #tpu.memory_space<vmem>>, vector<16xf32>,
        %parallel_loop3A_309 = arith.constant -8.000000e+00 : f32
        %parallel_loop3A_310 = vector.broadcast %parallel_loop3A_309 : f32 to vector<16xf32>
        %parallel_loop3A_311 = arith.maximumf %parallel_loop3A_308, %parallel_loop3A_310 : vector<16xf32>
        %parallel_loop3A_312 = arith.constant 8.000000e+00 : f32
        %parallel_loop3A_313 = vector.broadcast %parallel_loop3A_312 : f32 to vector<16xf32>
        %parallel_loop3A_314 = arith.minimumf %parallel_loop3A_311, %parallel_loop3A_313 : vector<16xf32>
        %parallel_loop3A_315 = arith.constant 3.200000e+01 : f32
        %parallel_loop3A_316 = vector.broadcast %parallel_loop3A_315 : f32 to vector<16xf32>
        %parallel_loop3A_317 = arith.mulf %parallel_loop3A_314, %parallel_loop3A_316 : vector<16xf32>
        %parallel_loop3A_318 = arith.constant 2.560000e+02 : f32
        %parallel_loop3A_319 = vector.broadcast %parallel_loop3A_318 : f32 to vector<16xf32>
        %parallel_loop3A_320 = arith.addf %parallel_loop3A_317, %parallel_loop3A_319 : vector<16xf32>
        %parallel_loop3A_321 = arith.fptosi %parallel_loop3A_320 : vector<16xf32> to vector<16xi32>
        %parallel_loop3A_322 = arith.constant 511 : i32
        %parallel_loop3A_323 = vector.broadcast %parallel_loop3A_322 : i32 to vector<16xi32>
        %parallel_loop3A_324 = arith.minsi %parallel_loop3A_321, %parallel_loop3A_323 : vector<16xi32>
        %parallel_loop3A_325 = tpu.vector_load_idx %arg6[%parallel_loop3A_324] : memref<512xf32, #tpu.memory_space<vmem>>[vector<16xi32>], vector<16xf32>,
        %parallel_loop3A_326 = tpu.vector_load_idx %arg7[%parallel_loop3A_324] : memref<512xf32, #tpu.memory_space<vmem>>[vector<16xi32>], vector<16xf32>,
        %parallel_loop3A_327 = arith.mulf %parallel_loop3A_325, %parallel_loop3A_314 : vector<16xf32>
        %parallel_loop3A_328 = arith.addf %parallel_loop3A_327, %parallel_loop3A_326 : vector<16xf32>
        %parallel_loop3A_329 = arith.constant 16 : i32
        %parallel_loop3A_330 = arith.muli %parallel_loop3A_78, %parallel_loop3A_329 : i32
        %parallel_loop3A_331 = arith.constant 7 : i32
        %parallel_loop3A_332 = arith.index_cast %parallel_loop3A_331 : i32 to index
        %parallel_loop3A_333 = arith.index_cast %parallel_loop3A_330 : i32 to index
        %parallel_loop3A_334 = tpu.vector_load %arg10[%parallel_loop3A_332, %parallel_loop3A_333] {strides = array<i32>} : memref<8x2048xf32, #tpu.memory_space<vmem>>, vector<16xf32>,
        tpu.vector_store %arg10[%parallel_loop3A_332, %parallel_loop3A_333], %parallel_loop3A_328 {strides = array<i32>} : memref<8x2048xf32, #tpu.memory_space<vmem>>, vector<16xf32>,
      } {sc.loop_unroll_factor = 1 : i64, sc.parallel_access}
      %dma_start3A_44 = arith.constant 0 : i32
      %dma_start3A_45 = tpu.memref_slice %arg5[%add3A_29, %dma_start3A_44] : memref<8192x2048xf32, #tpu.memory_space<hbm>> -> memref<8x2048xf32, #tpu.memory_space<hbm>>
      %dma_start3A_46 = arith.constant 0 : i32
      %dma_start3A_47 = tpu.memref_slice %arg5[%add3A_29, %dma_start3A_46] : memref<8192x2048xf32, #tpu.memory_space<hbm>> -> memref<8x2048xf32, #tpu.memory_space<hbm>>
      tpu.enqueue_dma source(%arg10 : memref<8x2048xf32, #tpu.memory_space<vmem>>) target(%dma_start3A_47 : memref<8x2048xf32, #tpu.memory_space<hbm>>) target_semaphore(%arg15 : memref<!tpu.dma_semaphore, #tpu.memory_space<semaphore_mem>>)
      %mul3A_48 = arith.constant 2 : i32
      %mul3A_49 = arith.muli %scan3A_22, %mul3A_48 : i32
      %add3A_50 = arith.constant 1 : i32
      %add3A_51 = arith.addi %mul3A_49, %add3A_50 : i32
      %mul3A_52 = arith.constant 8 : i32
      %mul3A_53 = arith.muli %add3A_51, %mul3A_52 : i32
      %add3A_54 = arith.addi %mul3A_2, %mul3A_53 : i32
      %add3A_55 = arith.constant 1 : i32
      %add3A_56 = arith.addi %add3A_51, %add3A_55 : i32
      %lt3A_57 = arith.constant 32 : i32
      %lt3A_58 = arith.cmpi slt, %add3A_56, %lt3A_57 : i32
      %convert_element_type3A_59 = arith.extui %lt3A_58 : i1 to i32
      %cond3A_60 = arith.constant 0 : i32
      %cond3A_61 = arith.cmpi ne, %convert_element_type3A_59, %cond3A_60 : i32
      scf.if %cond3A_61 {
        %add3A_78 = arith.constant 8 : i32
        %add3A_79 = arith.addi %add3A_54, %add3A_78 : i32
        %dma_start3A_80 = arith.constant 0 : i32
        %dma_start3A_81 = tpu.memref_slice %arg2[%add3A_79, %dma_start3A_80] : memref<8192x2048xf32, #tpu.memory_space<hbm>> -> memref<8x2048xf32, #tpu.memory_space<hbm>>
        %dma_start3A_82 = arith.constant 0 : i32
        %dma_start3A_83 = tpu.memref_slice %arg2[%add3A_79, %dma_start3A_82] : memref<8192x2048xf32, #tpu.memory_space<hbm>> -> memref<8x2048xf32, #tpu.memory_space<hbm>>
        tpu.enqueue_dma source(%dma_start3A_83 : memref<8x2048xf32, #tpu.memory_space<hbm>>) target(%arg8 : memref<8x2048xf32, #tpu.memory_space<vmem>>) target_semaphore(%arg13 : memref<!tpu.dma_semaphore, #tpu.memory_space<semaphore_mem>>)
      } else {
      }
      %dma_wait3A_62 = arith.constant 0 : i32
      %dma_wait3A_63 = tpu.memref_slice %arg2[%add3A_54, %dma_wait3A_62] : memref<8192x2048xf32, #tpu.memory_space<hbm>> -> memref<8x2048xf32, #tpu.memory_space<hbm>>
      %dma_wait3A_64 = arith.constant 0 : i32
      %dma_wait3A_65 = tpu.memref_slice %arg2[%add3A_54, %dma_wait3A_64] : memref<8192x2048xf32, #tpu.memory_space<hbm>> -> memref<8x2048xf32, #tpu.memory_space<hbm>>
      tpu.wait_dma2 semaphore(%arg14 : memref<!tpu.dma_semaphore, #tpu.memory_space<semaphore_mem>>) src(%dma_wait3A_65 : memref<8x2048xf32, #tpu.memory_space<hbm>>) dst(%arg9 : memref<8x2048xf32, #tpu.memory_space<vmem>>)
      %ge3A_66 = arith.constant 2 : i32
      %ge3A_67 = arith.cmpi sge, %add3A_51, %ge3A_66 : i32
      %convert_element_type3A_68 = arith.extui %ge3A_67 : i1 to i32
      %cond3A_69 = arith.constant 0 : i32
      %cond3A_70 = arith.cmpi ne, %convert_element_type3A_68, %cond3A_69 : i32
      scf.if %cond3A_70 {
        %dma_wait3A_78 = arith.constant 0 : i32
        %dma_wait3A_79 = tpu.memref_slice %arg5[%add3A_54, %dma_wait3A_78] : memref<8192x2048xf32, #tpu.memory_space<hbm>> -> memref<8x2048xf32, #tpu.memory_space<hbm>>
        %dma_wait3A_80 = arith.constant 0 : i32
        %dma_wait3A_81 = tpu.memref_slice %arg5[%add3A_54, %dma_wait3A_80] : memref<8192x2048xf32, #tpu.memory_space<hbm>> -> memref<8x2048xf32, #tpu.memory_space<hbm>>
        tpu.wait_dma2 semaphore(%arg16 : memref<!tpu.dma_semaphore, #tpu.memory_space<semaphore_mem>>) src(%arg11 : memref<8x2048xf32, #tpu.memory_space<vmem>>) dst(%dma_wait3A_81 : memref<8x2048xf32, #tpu.memory_space<hbm>>)
      } else {
      }
      %parallel_loop3A_71 = arith.constant 0 : i32
      %parallel_loop3A_72 = arith.constant 128 : i32
      %parallel_loop3A_73 = arith.constant 1 : i32
      scf.for %parallel_loop3A_78 = %parallel_loop3A_71 to %parallel_loop3A_72 step %parallel_loop3A_73  : i32 {
        %parallel_loop3A_79 = arith.constant 16 : i32
        %parallel_loop3A_80 = arith.muli %parallel_loop3A_78, %parallel_loop3A_79 : i32
        %parallel_loop3A_81 = arith.constant 0 : i32
        %parallel_loop3A_82 = arith.index_cast %parallel_loop3A_81 : i32 to index
        %parallel_loop3A_83 = arith.index_cast %parallel_loop3A_80 : i32 to index
        %parallel_loop3A_84 = tpu.vector_load %arg9[%parallel_loop3A_82, %parallel_loop3A_83] {strides = array<i32>} : memref<8x2048xf32, #tpu.memory_space<vmem>>, vector<16xf32>,
        %parallel_loop3A_85 = arith.constant -8.000000e+00 : f32
        %parallel_loop3A_86 = vector.broadcast %parallel_loop3A_85 : f32 to vector<16xf32>
        %parallel_loop3A_87 = arith.maximumf %parallel_loop3A_84, %parallel_loop3A_86 : vector<16xf32>
        %parallel_loop3A_88 = arith.constant 8.000000e+00 : f32
        %parallel_loop3A_89 = vector.broadcast %parallel_loop3A_88 : f32 to vector<16xf32>
        %parallel_loop3A_90 = arith.minimumf %parallel_loop3A_87, %parallel_loop3A_89 : vector<16xf32>
        %parallel_loop3A_91 = arith.constant 3.200000e+01 : f32
        %parallel_loop3A_92 = vector.broadcast %parallel_loop3A_91 : f32 to vector<16xf32>
        %parallel_loop3A_93 = arith.mulf %parallel_loop3A_90, %parallel_loop3A_92 : vector<16xf32>
        %parallel_loop3A_94 = arith.constant 2.560000e+02 : f32
        %parallel_loop3A_95 = vector.broadcast %parallel_loop3A_94 : f32 to vector<16xf32>
        %parallel_loop3A_96 = arith.addf %parallel_loop3A_93, %parallel_loop3A_95 : vector<16xf32>
        %parallel_loop3A_97 = arith.fptosi %parallel_loop3A_96 : vector<16xf32> to vector<16xi32>
        %parallel_loop3A_98 = arith.constant 511 : i32
        %parallel_loop3A_99 = vector.broadcast %parallel_loop3A_98 : i32 to vector<16xi32>
        %parallel_loop3A_100 = arith.minsi %parallel_loop3A_97, %parallel_loop3A_99 : vector<16xi32>
        %parallel_loop3A_101 = tpu.vector_load_idx %arg6[%parallel_loop3A_100] : memref<512xf32, #tpu.memory_space<vmem>>[vector<16xi32>], vector<16xf32>,
        %parallel_loop3A_102 = tpu.vector_load_idx %arg7[%parallel_loop3A_100] : memref<512xf32, #tpu.memory_space<vmem>>[vector<16xi32>], vector<16xf32>,
        %parallel_loop3A_103 = arith.mulf %parallel_loop3A_101, %parallel_loop3A_90 : vector<16xf32>
        %parallel_loop3A_104 = arith.addf %parallel_loop3A_103, %parallel_loop3A_102 : vector<16xf32>
        %parallel_loop3A_105 = arith.constant 16 : i32
        %parallel_loop3A_106 = arith.muli %parallel_loop3A_78, %parallel_loop3A_105 : i32
        %parallel_loop3A_107 = arith.constant 0 : i32
        %parallel_loop3A_108 = arith.index_cast %parallel_loop3A_107 : i32 to index
        %parallel_loop3A_109 = arith.index_cast %parallel_loop3A_106 : i32 to index
        %parallel_loop3A_110 = tpu.vector_load %arg11[%parallel_loop3A_108, %parallel_loop3A_109] {strides = array<i32>} : memref<8x2048xf32, #tpu.memory_space<vmem>>, vector<16xf32>,
        tpu.vector_store %arg11[%parallel_loop3A_108, %parallel_loop3A_109], %parallel_loop3A_104 {strides = array<i32>} : memref<8x2048xf32, #tpu.memory_space<vmem>>, vector<16xf32>,
        %parallel_loop3A_111 = arith.constant 16 : i32
        %parallel_loop3A_112 = arith.muli %parallel_loop3A_78, %parallel_loop3A_111 : i32
        %parallel_loop3A_113 = arith.constant 1 : i32
        %parallel_loop3A_114 = arith.index_cast %parallel_loop3A_113 : i32 to index
        %parallel_loop3A_115 = arith.index_cast %parallel_loop3A_112 : i32 to index
        %parallel_loop3A_116 = tpu.vector_load %arg9[%parallel_loop3A_114, %parallel_loop3A_115] {strides = array<i32>} : memref<8x2048xf32, #tpu.memory_space<vmem>>, vector<16xf32>,
        %parallel_loop3A_117 = arith.constant -8.000000e+00 : f32
        %parallel_loop3A_118 = vector.broadcast %parallel_loop3A_117 : f32 to vector<16xf32>
        %parallel_loop3A_119 = arith.maximumf %parallel_loop3A_116, %parallel_loop3A_118 : vector<16xf32>
        %parallel_loop3A_120 = arith.constant 8.000000e+00 : f32
        %parallel_loop3A_121 = vector.broadcast %parallel_loop3A_120 : f32 to vector<16xf32>
        %parallel_loop3A_122 = arith.minimumf %parallel_loop3A_119, %parallel_loop3A_121 : vector<16xf32>
        %parallel_loop3A_123 = arith.constant 3.200000e+01 : f32
        %parallel_loop3A_124 = vector.broadcast %parallel_loop3A_123 : f32 to vector<16xf32>
        %parallel_loop3A_125 = arith.mulf %parallel_loop3A_122, %parallel_loop3A_124 : vector<16xf32>
        %parallel_loop3A_126 = arith.constant 2.560000e+02 : f32
        %parallel_loop3A_127 = vector.broadcast %parallel_loop3A_126 : f32 to vector<16xf32>
        %parallel_loop3A_128 = arith.addf %parallel_loop3A_125, %parallel_loop3A_127 : vector<16xf32>
        %parallel_loop3A_129 = arith.fptosi %parallel_loop3A_128 : vector<16xf32> to vector<16xi32>
        %parallel_loop3A_130 = arith.constant 511 : i32
        %parallel_loop3A_131 = vector.broadcast %parallel_loop3A_130 : i32 to vector<16xi32>
        %parallel_loop3A_132 = arith.minsi %parallel_loop3A_129, %parallel_loop3A_131 : vector<16xi32>
        %parallel_loop3A_133 = tpu.vector_load_idx %arg6[%parallel_loop3A_132] : memref<512xf32, #tpu.memory_space<vmem>>[vector<16xi32>], vector<16xf32>,
        %parallel_loop3A_134 = tpu.vector_load_idx %arg7[%parallel_loop3A_132] : memref<512xf32, #tpu.memory_space<vmem>>[vector<16xi32>], vector<16xf32>,
        %parallel_loop3A_135 = arith.mulf %parallel_loop3A_133, %parallel_loop3A_122 : vector<16xf32>
        %parallel_loop3A_136 = arith.addf %parallel_loop3A_135, %parallel_loop3A_134 : vector<16xf32>
        %parallel_loop3A_137 = arith.constant 16 : i32
        %parallel_loop3A_138 = arith.muli %parallel_loop3A_78, %parallel_loop3A_137 : i32
        %parallel_loop3A_139 = arith.constant 1 : i32
        %parallel_loop3A_140 = arith.index_cast %parallel_loop3A_139 : i32 to index
        %parallel_loop3A_141 = arith.index_cast %parallel_loop3A_138 : i32 to index
        %parallel_loop3A_142 = tpu.vector_load %arg11[%parallel_loop3A_140, %parallel_loop3A_141] {strides = array<i32>} : memref<8x2048xf32, #tpu.memory_space<vmem>>, vector<16xf32>,
        tpu.vector_store %arg11[%parallel_loop3A_140, %parallel_loop3A_141], %parallel_loop3A_136 {strides = array<i32>} : memref<8x2048xf32, #tpu.memory_space<vmem>>, vector<16xf32>,
        %parallel_loop3A_143 = arith.constant 16 : i32
        %parallel_loop3A_144 = arith.muli %parallel_loop3A_78, %parallel_loop3A_143 : i32
        %parallel_loop3A_145 = arith.constant 2 : i32
        %parallel_loop3A_146 = arith.index_cast %parallel_loop3A_145 : i32 to index
        %parallel_loop3A_147 = arith.index_cast %parallel_loop3A_144 : i32 to index
        %parallel_loop3A_148 = tpu.vector_load %arg9[%parallel_loop3A_146, %parallel_loop3A_147] {strides = array<i32>} : memref<8x2048xf32, #tpu.memory_space<vmem>>, vector<16xf32>,
        %parallel_loop3A_149 = arith.constant -8.000000e+00 : f32
        %parallel_loop3A_150 = vector.broadcast %parallel_loop3A_149 : f32 to vector<16xf32>
        %parallel_loop3A_151 = arith.maximumf %parallel_loop3A_148, %parallel_loop3A_150 : vector<16xf32>
        %parallel_loop3A_152 = arith.constant 8.000000e+00 : f32
        %parallel_loop3A_153 = vector.broadcast %parallel_loop3A_152 : f32 to vector<16xf32>
        %parallel_loop3A_154 = arith.minimumf %parallel_loop3A_151, %parallel_loop3A_153 : vector<16xf32>
        %parallel_loop3A_155 = arith.constant 3.200000e+01 : f32
        %parallel_loop3A_156 = vector.broadcast %parallel_loop3A_155 : f32 to vector<16xf32>
        %parallel_loop3A_157 = arith.mulf %parallel_loop3A_154, %parallel_loop3A_156 : vector<16xf32>
        %parallel_loop3A_158 = arith.constant 2.560000e+02 : f32
        %parallel_loop3A_159 = vector.broadcast %parallel_loop3A_158 : f32 to vector<16xf32>
        %parallel_loop3A_160 = arith.addf %parallel_loop3A_157, %parallel_loop3A_159 : vector<16xf32>
        %parallel_loop3A_161 = arith.fptosi %parallel_loop3A_160 : vector<16xf32> to vector<16xi32>
        %parallel_loop3A_162 = arith.constant 511 : i32
        %parallel_loop3A_163 = vector.broadcast %parallel_loop3A_162 : i32 to vector<16xi32>
        %parallel_loop3A_164 = arith.minsi %parallel_loop3A_161, %parallel_loop3A_163 : vector<16xi32>
        %parallel_loop3A_165 = tpu.vector_load_idx %arg6[%parallel_loop3A_164] : memref<512xf32, #tpu.memory_space<vmem>>[vector<16xi32>], vector<16xf32>,
        %parallel_loop3A_166 = tpu.vector_load_idx %arg7[%parallel_loop3A_164] : memref<512xf32, #tpu.memory_space<vmem>>[vector<16xi32>], vector<16xf32>,
        %parallel_loop3A_167 = arith.mulf %parallel_loop3A_165, %parallel_loop3A_154 : vector<16xf32>
        %parallel_loop3A_168 = arith.addf %parallel_loop3A_167, %parallel_loop3A_166 : vector<16xf32>
        %parallel_loop3A_169 = arith.constant 16 : i32
        %parallel_loop3A_170 = arith.muli %parallel_loop3A_78, %parallel_loop3A_169 : i32
        %parallel_loop3A_171 = arith.constant 2 : i32
        %parallel_loop3A_172 = arith.index_cast %parallel_loop3A_171 : i32 to index
        %parallel_loop3A_173 = arith.index_cast %parallel_loop3A_170 : i32 to index
        %parallel_loop3A_174 = tpu.vector_load %arg11[%parallel_loop3A_172, %parallel_loop3A_173] {strides = array<i32>} : memref<8x2048xf32, #tpu.memory_space<vmem>>, vector<16xf32>,
        tpu.vector_store %arg11[%parallel_loop3A_172, %parallel_loop3A_173], %parallel_loop3A_168 {strides = array<i32>} : memref<8x2048xf32, #tpu.memory_space<vmem>>, vector<16xf32>,
        %parallel_loop3A_175 = arith.constant 16 : i32
        %parallel_loop3A_176 = arith.muli %parallel_loop3A_78, %parallel_loop3A_175 : i32
        %parallel_loop3A_177 = arith.constant 3 : i32
        %parallel_loop3A_178 = arith.index_cast %parallel_loop3A_177 : i32 to index
        %parallel_loop3A_179 = arith.index_cast %parallel_loop3A_176 : i32 to index
        %parallel_loop3A_180 = tpu.vector_load %arg9[%parallel_loop3A_178, %parallel_loop3A_179] {strides = array<i32>} : memref<8x2048xf32, #tpu.memory_space<vmem>>, vector<16xf32>,
        %parallel_loop3A_181 = arith.constant -8.000000e+00 : f32
        %parallel_loop3A_182 = vector.broadcast %parallel_loop3A_181 : f32 to vector<16xf32>
        %parallel_loop3A_183 = arith.maximumf %parallel_loop3A_180, %parallel_loop3A_182 : vector<16xf32>
        %parallel_loop3A_184 = arith.constant 8.000000e+00 : f32
        %parallel_loop3A_185 = vector.broadcast %parallel_loop3A_184 : f32 to vector<16xf32>
        %parallel_loop3A_186 = arith.minimumf %parallel_loop3A_183, %parallel_loop3A_185 : vector<16xf32>
        %parallel_loop3A_187 = arith.constant 3.200000e+01 : f32
        %parallel_loop3A_188 = vector.broadcast %parallel_loop3A_187 : f32 to vector<16xf32>
        %parallel_loop3A_189 = arith.mulf %parallel_loop3A_186, %parallel_loop3A_188 : vector<16xf32>
        %parallel_loop3A_190 = arith.constant 2.560000e+02 : f32
        %parallel_loop3A_191 = vector.broadcast %parallel_loop3A_190 : f32 to vector<16xf32>
        %parallel_loop3A_192 = arith.addf %parallel_loop3A_189, %parallel_loop3A_191 : vector<16xf32>
        %parallel_loop3A_193 = arith.fptosi %parallel_loop3A_192 : vector<16xf32> to vector<16xi32>
        %parallel_loop3A_194 = arith.constant 511 : i32
        %parallel_loop3A_195 = vector.broadcast %parallel_loop3A_194 : i32 to vector<16xi32>
        %parallel_loop3A_196 = arith.minsi %parallel_loop3A_193, %parallel_loop3A_195 : vector<16xi32>
        %parallel_loop3A_197 = tpu.vector_load_idx %arg6[%parallel_loop3A_196] : memref<512xf32, #tpu.memory_space<vmem>>[vector<16xi32>], vector<16xf32>,
        %parallel_loop3A_198 = tpu.vector_load_idx %arg7[%parallel_loop3A_196] : memref<512xf32, #tpu.memory_space<vmem>>[vector<16xi32>], vector<16xf32>,
        %parallel_loop3A_199 = arith.mulf %parallel_loop3A_197, %parallel_loop3A_186 : vector<16xf32>
        %parallel_loop3A_200 = arith.addf %parallel_loop3A_199, %parallel_loop3A_198 : vector<16xf32>
        %parallel_loop3A_201 = arith.constant 16 : i32
        %parallel_loop3A_202 = arith.muli %parallel_loop3A_78, %parallel_loop3A_201 : i32
        %parallel_loop3A_203 = arith.constant 3 : i32
        %parallel_loop3A_204 = arith.index_cast %parallel_loop3A_203 : i32 to index
        %parallel_loop3A_205 = arith.index_cast %parallel_loop3A_202 : i32 to index
        %parallel_loop3A_206 = tpu.vector_load %arg11[%parallel_loop3A_204, %parallel_loop3A_205] {strides = array<i32>} : memref<8x2048xf32, #tpu.memory_space<vmem>>, vector<16xf32>,
        tpu.vector_store %arg11[%parallel_loop3A_204, %parallel_loop3A_205], %parallel_loop3A_200 {strides = array<i32>} : memref<8x2048xf32, #tpu.memory_space<vmem>>, vector<16xf32>,
        %parallel_loop3A_207 = arith.constant 16 : i32
        %parallel_loop3A_208 = arith.muli %parallel_loop3A_78, %parallel_loop3A_207 : i32
        %parallel_loop3A_209 = arith.constant 4 : i32
        %parallel_loop3A_210 = arith.index_cast %parallel_loop3A_209 : i32 to index
        %parallel_loop3A_211 = arith.index_cast %parallel_loop3A_208 : i32 to index
        %parallel_loop3A_212 = tpu.vector_load %arg9[%parallel_loop3A_210, %parallel_loop3A_211] {strides = array<i32>} : memref<8x2048xf32, #tpu.memory_space<vmem>>, vector<16xf32>,
        %parallel_loop3A_213 = arith.constant -8.000000e+00 : f32
        %parallel_loop3A_214 = vector.broadcast %parallel_loop3A_213 : f32 to vector<16xf32>
        %parallel_loop3A_215 = arith.maximumf %parallel_loop3A_212, %parallel_loop3A_214 : vector<16xf32>
        %parallel_loop3A_216 = arith.constant 8.000000e+00 : f32
        %parallel_loop3A_217 = vector.broadcast %parallel_loop3A_216 : f32 to vector<16xf32>
        %parallel_loop3A_218 = arith.minimumf %parallel_loop3A_215, %parallel_loop3A_217 : vector<16xf32>
        %parallel_loop3A_219 = arith.constant 3.200000e+01 : f32
        %parallel_loop3A_220 = vector.broadcast %parallel_loop3A_219 : f32 to vector<16xf32>
        %parallel_loop3A_221 = arith.mulf %parallel_loop3A_218, %parallel_loop3A_220 : vector<16xf32>
        %parallel_loop3A_222 = arith.constant 2.560000e+02 : f32
        %parallel_loop3A_223 = vector.broadcast %parallel_loop3A_222 : f32 to vector<16xf32>
        %parallel_loop3A_224 = arith.addf %parallel_loop3A_221, %parallel_loop3A_223 : vector<16xf32>
        %parallel_loop3A_225 = arith.fptosi %parallel_loop3A_224 : vector<16xf32> to vector<16xi32>
        %parallel_loop3A_226 = arith.constant 511 : i32
        %parallel_loop3A_227 = vector.broadcast %parallel_loop3A_226 : i32 to vector<16xi32>
        %parallel_loop3A_228 = arith.minsi %parallel_loop3A_225, %parallel_loop3A_227 : vector<16xi32>
        %parallel_loop3A_229 = tpu.vector_load_idx %arg6[%parallel_loop3A_228] : memref<512xf32, #tpu.memory_space<vmem>>[vector<16xi32>], vector<16xf32>,
        %parallel_loop3A_230 = tpu.vector_load_idx %arg7[%parallel_loop3A_228] : memref<512xf32, #tpu.memory_space<vmem>>[vector<16xi32>], vector<16xf32>,
        %parallel_loop3A_231 = arith.mulf %parallel_loop3A_229, %parallel_loop3A_218 : vector<16xf32>
        %parallel_loop3A_232 = arith.addf %parallel_loop3A_231, %parallel_loop3A_230 : vector<16xf32>
        %parallel_loop3A_233 = arith.constant 16 : i32
        %parallel_loop3A_234 = arith.muli %parallel_loop3A_78, %parallel_loop3A_233 : i32
        %parallel_loop3A_235 = arith.constant 4 : i32
        %parallel_loop3A_236 = arith.index_cast %parallel_loop3A_235 : i32 to index
        %parallel_loop3A_237 = arith.index_cast %parallel_loop3A_234 : i32 to index
        %parallel_loop3A_238 = tpu.vector_load %arg11[%parallel_loop3A_236, %parallel_loop3A_237] {strides = array<i32>} : memref<8x2048xf32, #tpu.memory_space<vmem>>, vector<16xf32>,
        tpu.vector_store %arg11[%parallel_loop3A_236, %parallel_loop3A_237], %parallel_loop3A_232 {strides = array<i32>} : memref<8x2048xf32, #tpu.memory_space<vmem>>, vector<16xf32>,
        %parallel_loop3A_239 = arith.constant 16 : i32
        %parallel_loop3A_240 = arith.muli %parallel_loop3A_78, %parallel_loop3A_239 : i32
        %parallel_loop3A_241 = arith.constant 5 : i32
        %parallel_loop3A_242 = arith.index_cast %parallel_loop3A_241 : i32 to index
        %parallel_loop3A_243 = arith.index_cast %parallel_loop3A_240 : i32 to index
        %parallel_loop3A_244 = tpu.vector_load %arg9[%parallel_loop3A_242, %parallel_loop3A_243] {strides = array<i32>} : memref<8x2048xf32, #tpu.memory_space<vmem>>, vector<16xf32>,
        %parallel_loop3A_245 = arith.constant -8.000000e+00 : f32
        %parallel_loop3A_246 = vector.broadcast %parallel_loop3A_245 : f32 to vector<16xf32>
        %parallel_loop3A_247 = arith.maximumf %parallel_loop3A_244, %parallel_loop3A_246 : vector<16xf32>
        %parallel_loop3A_248 = arith.constant 8.000000e+00 : f32
        %parallel_loop3A_249 = vector.broadcast %parallel_loop3A_248 : f32 to vector<16xf32>
        %parallel_loop3A_250 = arith.minimumf %parallel_loop3A_247, %parallel_loop3A_249 : vector<16xf32>
        %parallel_loop3A_251 = arith.constant 3.200000e+01 : f32
        %parallel_loop3A_252 = vector.broadcast %parallel_loop3A_251 : f32 to vector<16xf32>
        %parallel_loop3A_253 = arith.mulf %parallel_loop3A_250, %parallel_loop3A_252 : vector<16xf32>
        %parallel_loop3A_254 = arith.constant 2.560000e+02 : f32
        %parallel_loop3A_255 = vector.broadcast %parallel_loop3A_254 : f32 to vector<16xf32>
        %parallel_loop3A_256 = arith.addf %parallel_loop3A_253, %parallel_loop3A_255 : vector<16xf32>
        %parallel_loop3A_257 = arith.fptosi %parallel_loop3A_256 : vector<16xf32> to vector<16xi32>
        %parallel_loop3A_258 = arith.constant 511 : i32
        %parallel_loop3A_259 = vector.broadcast %parallel_loop3A_258 : i32 to vector<16xi32>
        %parallel_loop3A_260 = arith.minsi %parallel_loop3A_257, %parallel_loop3A_259 : vector<16xi32>
        %parallel_loop3A_261 = tpu.vector_load_idx %arg6[%parallel_loop3A_260] : memref<512xf32, #tpu.memory_space<vmem>>[vector<16xi32>], vector<16xf32>,
        %parallel_loop3A_262 = tpu.vector_load_idx %arg7[%parallel_loop3A_260] : memref<512xf32, #tpu.memory_space<vmem>>[vector<16xi32>], vector<16xf32>,
        %parallel_loop3A_263 = arith.mulf %parallel_loop3A_261, %parallel_loop3A_250 : vector<16xf32>
        %parallel_loop3A_264 = arith.addf %parallel_loop3A_263, %parallel_loop3A_262 : vector<16xf32>
        %parallel_loop3A_265 = arith.constant 16 : i32
        %parallel_loop3A_266 = arith.muli %parallel_loop3A_78, %parallel_loop3A_265 : i32
        %parallel_loop3A_267 = arith.constant 5 : i32
        %parallel_loop3A_268 = arith.index_cast %parallel_loop3A_267 : i32 to index
        %parallel_loop3A_269 = arith.index_cast %parallel_loop3A_266 : i32 to index
        %parallel_loop3A_270 = tpu.vector_load %arg11[%parallel_loop3A_268, %parallel_loop3A_269] {strides = array<i32>} : memref<8x2048xf32, #tpu.memory_space<vmem>>, vector<16xf32>,
        tpu.vector_store %arg11[%parallel_loop3A_268, %parallel_loop3A_269], %parallel_loop3A_264 {strides = array<i32>} : memref<8x2048xf32, #tpu.memory_space<vmem>>, vector<16xf32>,
        %parallel_loop3A_271 = arith.constant 16 : i32
        %parallel_loop3A_272 = arith.muli %parallel_loop3A_78, %parallel_loop3A_271 : i32
        %parallel_loop3A_273 = arith.constant 6 : i32
        %parallel_loop3A_274 = arith.index_cast %parallel_loop3A_273 : i32 to index
        %parallel_loop3A_275 = arith.index_cast %parallel_loop3A_272 : i32 to index
        %parallel_loop3A_276 = tpu.vector_load %arg9[%parallel_loop3A_274, %parallel_loop3A_275] {strides = array<i32>} : memref<8x2048xf32, #tpu.memory_space<vmem>>, vector<16xf32>,
        %parallel_loop3A_277 = arith.constant -8.000000e+00 : f32
        %parallel_loop3A_278 = vector.broadcast %parallel_loop3A_277 : f32 to vector<16xf32>
        %parallel_loop3A_279 = arith.maximumf %parallel_loop3A_276, %parallel_loop3A_278 : vector<16xf32>
        %parallel_loop3A_280 = arith.constant 8.000000e+00 : f32
        %parallel_loop3A_281 = vector.broadcast %parallel_loop3A_280 : f32 to vector<16xf32>
        %parallel_loop3A_282 = arith.minimumf %parallel_loop3A_279, %parallel_loop3A_281 : vector<16xf32>
        %parallel_loop3A_283 = arith.constant 3.200000e+01 : f32
        %parallel_loop3A_284 = vector.broadcast %parallel_loop3A_283 : f32 to vector<16xf32>
        %parallel_loop3A_285 = arith.mulf %parallel_loop3A_282, %parallel_loop3A_284 : vector<16xf32>
        %parallel_loop3A_286 = arith.constant 2.560000e+02 : f32
        %parallel_loop3A_287 = vector.broadcast %parallel_loop3A_286 : f32 to vector<16xf32>
        %parallel_loop3A_288 = arith.addf %parallel_loop3A_285, %parallel_loop3A_287 : vector<16xf32>
        %parallel_loop3A_289 = arith.fptosi %parallel_loop3A_288 : vector<16xf32> to vector<16xi32>
        %parallel_loop3A_290 = arith.constant 511 : i32
        %parallel_loop3A_291 = vector.broadcast %parallel_loop3A_290 : i32 to vector<16xi32>
        %parallel_loop3A_292 = arith.minsi %parallel_loop3A_289, %parallel_loop3A_291 : vector<16xi32>
        %parallel_loop3A_293 = tpu.vector_load_idx %arg6[%parallel_loop3A_292] : memref<512xf32, #tpu.memory_space<vmem>>[vector<16xi32>], vector<16xf32>,
        %parallel_loop3A_294 = tpu.vector_load_idx %arg7[%parallel_loop3A_292] : memref<512xf32, #tpu.memory_space<vmem>>[vector<16xi32>], vector<16xf32>,
        %parallel_loop3A_295 = arith.mulf %parallel_loop3A_293, %parallel_loop3A_282 : vector<16xf32>
        %parallel_loop3A_296 = arith.addf %parallel_loop3A_295, %parallel_loop3A_294 : vector<16xf32>
        %parallel_loop3A_297 = arith.constant 16 : i32
        %parallel_loop3A_298 = arith.muli %parallel_loop3A_78, %parallel_loop3A_297 : i32
        %parallel_loop3A_299 = arith.constant 6 : i32
        %parallel_loop3A_300 = arith.index_cast %parallel_loop3A_299 : i32 to index
        %parallel_loop3A_301 = arith.index_cast %parallel_loop3A_298 : i32 to index
        %parallel_loop3A_302 = tpu.vector_load %arg11[%parallel_loop3A_300, %parallel_loop3A_301] {strides = array<i32>} : memref<8x2048xf32, #tpu.memory_space<vmem>>, vector<16xf32>,
        tpu.vector_store %arg11[%parallel_loop3A_300, %parallel_loop3A_301], %parallel_loop3A_296 {strides = array<i32>} : memref<8x2048xf32, #tpu.memory_space<vmem>>, vector<16xf32>,
        %parallel_loop3A_303 = arith.constant 16 : i32
        %parallel_loop3A_304 = arith.muli %parallel_loop3A_78, %parallel_loop3A_303 : i32
        %parallel_loop3A_305 = arith.constant 7 : i32
        %parallel_loop3A_306 = arith.index_cast %parallel_loop3A_305 : i32 to index
        %parallel_loop3A_307 = arith.index_cast %parallel_loop3A_304 : i32 to index
        %parallel_loop3A_308 = tpu.vector_load %arg9[%parallel_loop3A_306, %parallel_loop3A_307] {strides = array<i32>} : memref<8x2048xf32, #tpu.memory_space<vmem>>, vector<16xf32>,
        %parallel_loop3A_309 = arith.constant -8.000000e+00 : f32
        %parallel_loop3A_310 = vector.broadcast %parallel_loop3A_309 : f32 to vector<16xf32>
        %parallel_loop3A_311 = arith.maximumf %parallel_loop3A_308, %parallel_loop3A_310 : vector<16xf32>
        %parallel_loop3A_312 = arith.constant 8.000000e+00 : f32
        %parallel_loop3A_313 = vector.broadcast %parallel_loop3A_312 : f32 to vector<16xf32>
        %parallel_loop3A_314 = arith.minimumf %parallel_loop3A_311, %parallel_loop3A_313 : vector<16xf32>
        %parallel_loop3A_315 = arith.constant 3.200000e+01 : f32
        %parallel_loop3A_316 = vector.broadcast %parallel_loop3A_315 : f32 to vector<16xf32>
        %parallel_loop3A_317 = arith.mulf %parallel_loop3A_314, %parallel_loop3A_316 : vector<16xf32>
        %parallel_loop3A_318 = arith.constant 2.560000e+02 : f32
        %parallel_loop3A_319 = vector.broadcast %parallel_loop3A_318 : f32 to vector<16xf32>
        %parallel_loop3A_320 = arith.addf %parallel_loop3A_317, %parallel_loop3A_319 : vector<16xf32>
        %parallel_loop3A_321 = arith.fptosi %parallel_loop3A_320 : vector<16xf32> to vector<16xi32>
        %parallel_loop3A_322 = arith.constant 511 : i32
        %parallel_loop3A_323 = vector.broadcast %parallel_loop3A_322 : i32 to vector<16xi32>
        %parallel_loop3A_324 = arith.minsi %parallel_loop3A_321, %parallel_loop3A_323 : vector<16xi32>
        %parallel_loop3A_325 = tpu.vector_load_idx %arg6[%parallel_loop3A_324] : memref<512xf32, #tpu.memory_space<vmem>>[vector<16xi32>], vector<16xf32>,
        %parallel_loop3A_326 = tpu.vector_load_idx %arg7[%parallel_loop3A_324] : memref<512xf32, #tpu.memory_space<vmem>>[vector<16xi32>], vector<16xf32>,
        %parallel_loop3A_327 = arith.mulf %parallel_loop3A_325, %parallel_loop3A_314 : vector<16xf32>
        %parallel_loop3A_328 = arith.addf %parallel_loop3A_327, %parallel_loop3A_326 : vector<16xf32>
        %parallel_loop3A_329 = arith.constant 16 : i32
        %parallel_loop3A_330 = arith.muli %parallel_loop3A_78, %parallel_loop3A_329 : i32
        %parallel_loop3A_331 = arith.constant 7 : i32
        %parallel_loop3A_332 = arith.index_cast %parallel_loop3A_331 : i32 to index
        %parallel_loop3A_333 = arith.index_cast %parallel_loop3A_330 : i32 to index
        %parallel_loop3A_334 = tpu.vector_load %arg11[%parallel_loop3A_332, %parallel_loop3A_333] {strides = array<i32>} : memref<8x2048xf32, #tpu.memory_space<vmem>>, vector<16xf32>,
        tpu.vector_store %arg11[%parallel_loop3A_332, %parallel_loop3A_333], %parallel_loop3A_328 {strides = array<i32>} : memref<8x2048xf32, #tpu.memory_space<vmem>>, vector<16xf32>,
      } {sc.loop_unroll_factor = 1 : i64, sc.parallel_access}
      %dma_start3A_74 = arith.constant 0 : i32
      %dma_start3A_75 = tpu.memref_slice %arg5[%add3A_54, %dma_start3A_74] : memref<8192x2048xf32, #tpu.memory_space<hbm>> -> memref<8x2048xf32, #tpu.memory_space<hbm>>
      %dma_start3A_76 = arith.constant 0 : i32
      %dma_start3A_77 = tpu.memref_slice %arg5[%add3A_54, %dma_start3A_76] : memref<8192x2048xf32, #tpu.memory_space<hbm>> -> memref<8x2048xf32, #tpu.memory_space<hbm>>
      tpu.enqueue_dma source(%arg11 : memref<8x2048xf32, #tpu.memory_space<vmem>>) target(%dma_start3A_77 : memref<8x2048xf32, #tpu.memory_space<hbm>>) target_semaphore(%arg16 : memref<!tpu.dma_semaphore, #tpu.memory_space<semaphore_mem>>)
    }
    %scan3A_10 = arith.constant 16 : i32
    %add3A_11 = arith.constant 240 : i32
    %add3A_12 = arith.addi %mul3A_2, %add3A_11 : i32
    %dma_wait3A = arith.constant 0 : i32
    %dma_wait3A_13 = tpu.memref_slice %arg5[%add3A_12, %dma_wait3A] : memref<8192x2048xf32, #tpu.memory_space<hbm>> -> memref<8x2048xf32, #tpu.memory_space<hbm>>
    %dma_wait3A_14 = arith.constant 0 : i32
    %dma_wait3A_15 = tpu.memref_slice %arg5[%add3A_12, %dma_wait3A_14] : memref<8192x2048xf32, #tpu.memory_space<hbm>> -> memref<8x2048xf32, #tpu.memory_space<hbm>>
    tpu.wait_dma2 semaphore(%arg15 : memref<!tpu.dma_semaphore, #tpu.memory_space<semaphore_mem>>) src(%arg10 : memref<8x2048xf32, #tpu.memory_space<vmem>>) dst(%dma_wait3A_15 : memref<8x2048xf32, #tpu.memory_space<hbm>>)
    %add3A_16 = arith.constant 248 : i32
    %add3A_17 = arith.addi %mul3A_2, %add3A_16 : i32
    %dma_wait3A_18 = arith.constant 0 : i32
    %dma_wait3A_19 = tpu.memref_slice %arg5[%add3A_17, %dma_wait3A_18] : memref<8192x2048xf32, #tpu.memory_space<hbm>> -> memref<8x2048xf32, #tpu.memory_space<hbm>>
    %dma_wait3A_20 = arith.constant 0 : i32
    %dma_wait3A_21 = tpu.memref_slice %arg5[%add3A_17, %dma_wait3A_20] : memref<8192x2048xf32, #tpu.memory_space<hbm>> -> memref<8x2048xf32, #tpu.memory_space<hbm>>
    tpu.wait_dma2 semaphore(%arg16 : memref<!tpu.dma_semaphore, #tpu.memory_space<semaphore_mem>>) src(%arg11 : memref<8x2048xf32, #tpu.memory_space<vmem>>) dst(%dma_wait3A_21 : memref<8x2048xf32, #tpu.memory_space<hbm>>)
    return
  }
}

</mosaic_0001>

<sc_bundles>
// kernel: kernel.3.cloned.1.call-start
scs
__scs_entry_jumppad:
0x0: {  	(pc) =	sbr.rel $0x88, $3  }
0x1: {  	(tag) =	ssettag $0x0;
	lr =	simm.s32 $0x1  }
0x2: {  	[smem:$0x3F9D] =	sst lr;
	_ =	strace $0xD0000000  }
0x3: {  	_ = 	snop  }
0x4: {  	_ = 	snop  }
0x5: {  	_ = 	snop  }
0x6: {  	_ = 	snop  }
0x7: {  	_ = 	snop  }
__scs_overlays_trampoline_lowered:
0x8: {  	[smem:$0x3FAC] =	sst s0  }
0x9: {  	[smem:$0x3FAD] =	sst s1  }
0xa: {  	[smem:$0x3FAE] =	sst s2  }
0xb: {  	[smem:$0x3FAF] =	sst s3  }
0xc: {  	[smem:$0x3FB0] =	sst s4  }
0xd: {  	[smem:$0x3FB1] =	sst s5  }
0xe: {  	[smem:$0x3FB2] =	sst s6  }
0xf: {  	[smem:$0x3FB3] =	sst s7  }
0x10: {  	[smem:$0x3FB4] =	sst s8  }
0x11: {  	[smem:$0x3FB5] =	sst s9;
	s0 =	simm.s32 @!p0 $0x0  }
0x12: {  	s1 =	sld [smem:$0x3F9B];
	s0 =	simm.s32 @p0 $0x1  }
0x13: {  	[smem:$0x3FB6] =	sst s0;
	s0 =	simm.s32 @!p1 $0x0  }
0x14: {  	s2 =	sld [smem:$0x3F9A];
	s0 =	simm.s32 @p1 $0x1  }
0x15: {  	[smem:$0x3FB7] =	sst s0;
	s0 =	simm.s32 @!p2 $0x0  }
0x16: {  	s3 =	sld [smem:$0x3FDB];
	s0 =	simm.s32 @p2 $0x1  }
0x17: {  	s4 =	simm.s32 $0x1BF5;
	[smem:$0x3FB9] =	sst s0  }
0x18: {  	s0 =	sld [smem:$0x3F9C];
	_ =	swait.ge [sflag:s4], $0x0  }
0x19: {  	s7 =	sld [smem:$0x3F9D]  }
0x1a: {  	s8 =	sadd.s32 $0xFFFFE003, lr  }
0x1b: {  	s9 =	sadd.s32 $0xFFFFFEF7, lr;
	s5 =	simm.s32 $0xFFFFFFFF;
	p2 =	slt.u32 s8, $0xFFFFF086  }
0x1c: {  	p1 =	slt.u32 s9, $0xF7A;
	s5 =	simm.s32 @!p2 $0x0  }
0x1d: {  	s5 =	simm.s32 @p1 $0x1;
	p0 =	seq.s32 s7, s2  }
0x1e: {  	s7 =	smul.u32 @!p0 $0xF7A, s2;
	p2 =	seq.s32 @!p0 s5, $0x0  }
0x1f: {  	s9 =	smul.u32 $0xF7A, s1;
	s8 =	simm.s32 @!p0 $0x1BF5;
	p2 =	por !p2, p0  }
0x20: {  	[sflag:s8] =	ssyncset.s32 @!p0 $0xFFFFF086;
	s6 =	sadd.s32 @!p0 s3, s7;
	s7 =	simm.s32 @!p0 $0x108  }
0x21: {  	s3 =	sadd.s32 s3, s9;
	s6 =	sadd.s32 @!p0 $0x88, s6;
	s7 =	simm.s32 @p2 $0x1082  }
0x22: {  	[simem:s7], [sflag:s8] =	dma.local @!p0 [hbm:s6], $0xF7A  }
0x23: {  	s9 =	sor.u32 $0xD0000000, s2;
	s6 =	simm.s32 $0x108;
	_ =	swait.ge @!p0 [sflag:s8], $0x0  }
0x24: {  	s3 =	sadd.s32 $0x88, s3;
	s6 =	simm.s32 @!p1 $0x1082;
	[sflag:s4] =	ssyncset.s32 $0xFFFFF086  }
0x25: {  	[simem:s6], [sflag:s4] =	dma.local [hbm:s3], $0xF7A  }
0x26: {  	[smem:$0x3F9D] =	sst s1;
	(tag) =	ssettag s2;
	_ =	strace s9  }
0x27: {  	s1 =	sld [smem:$0x3FAD]  }
0x28: {  	s2 =	sld [smem:$0x3FAE]  }
0x29: {  	s4 =	sld [smem:$0x3FB0]  }
0x2a: {  	p0 =	seq.s32 s5, $0x0;
	s5 =	sld [smem:$0x3FB1]  }
0x2b: {  	s6 =	sld [smem:$0x3FB2]  }
0x2c: {  	s7 =	sld [smem:$0x3FB3]  }
0x2d: {  	s3 =	simm.s32 $0x108;
	s8 =	sld [smem:$0x3FB4]  }
0x2e: {  	s3 =	simm.s32 @!p0 $0x1082;
	s9 =	sld [smem:$0x3FB5]  }
0x2f: {  	lr =	sadd.s32 s0, s3;
	s0 =	sld [smem:$0x3FAC]  }
0x30: {  	s3 =	sld [smem:$0x3FAF]  }
0x31: {  	[smem:$0x3FB8] =	sst s10  }
0x32: {  	s10 =	sld [smem:$0x3FB6];
	_ =	sdelay $0x3  }
0x33: {  	p0 =	seq.s32 s10, $0x1;
	s10 =	sld [smem:$0x3FB8];
	_ =	sdelay $0x3  }
0x34: {  	[smem:$0x3FB8] =	sst s10  }
0x35: {  	s10 =	sld [smem:$0x3FB7];
	_ =	sdelay $0x3  }
0x36: {  	p1 =	seq.s32 s10, $0x1;
	s10 =	sld [smem:$0x3FB8];
	_ =	sdelay $0x3  }
0x37: {  	[smem:$0x3FB8] =	sst s10  }
0x38: {  	s10 =	sld [smem:$0x3FB9]  }
0x39: {  	_ = 	snop;
	(pc) =	sbr.ind lr, $3  }
0x3a: {  	_ = 	snop  }
0x3b: {  	_ = 	snop  }
0x3c: {  	p2 =	seq.s32 s10, $0x1;
	s10 =	sld [smem:$0x3FB8]  }
0x3d: {  	_ =	shalt  }
0x3e: {  	_ =	shalt  }
0x3f: {  	_ =	shalt  }
0x40: {  	_ =	shalt  }
0x41: {  	_ =	shalt  }
0x42: {  	_ =	shalt  }
0x43: {  	_ =	shalt  }
0x44: {  	_ =	shalt  }
0x45: {  	_ =	shalt  }
0x46: {  	_ =	shalt  }
0x47: {  	_ =	shalt  }
0x48: {  	_ =	shalt  }
0x49: {  	_ =	shalt  }
0x4a: {  	_ =	shalt  }
0x4b: {  	_ =	shalt  }
0x4c: {  	_ =	shalt  }
0x4d: {  	_ =	shalt  }
0x4e: {  	_ =	shalt  }
0x4f: {  	_ =	shalt  }
0x50: {  	_ =	shalt  }
0x51: {  	_ =	shalt  }
0x52: {  	_ =	shalt  }
0x53: {  	_ =	shalt  }
0x54: {  	_ =	shalt  }
0x55: {  	_ =	shalt  }
0x56: {  	_ =	shalt  }
0x57: {  	_ =	shalt  }
0x58: {  	_ =	shalt  }
0x59: {  	_ =	shalt  }
0x5a: {  	_ =	shalt  }
0x5b: {  	_ =	shalt  }
0x5c: {  	_ =	shalt  }
0x5d: {  	_ =	shalt  }
0x5e: {  	_ =	shalt  }
0x5f: {  	_ =	shalt  }
0x60: {  	_ =	shalt  }
0x61: {  	_ =	shalt  }
0x62: {  	_ =	shalt  }
0x63: {  	_ =	shalt  }
0x64: {  	_ =	shalt  }
0x65: {  	_ =	shalt  }
0x66: {  	_ =	shalt  }
0x67: {  	_ =	shalt  }
0x68: {  	_ =	shalt  }
0x69: {  	_ =	shalt  }
0x6a: {  	_ =	shalt  }
0x6b: {  	_ =	shalt  }
0x6c: {  	_ =	shalt  }
0x6d: {  	_ =	shalt  }
0x6e: {  	_ =	shalt  }
0x6f: {  	_ =	shalt  }
0x70: {  	_ =	shalt  }
0x71: {  	_ =	shalt  }
0x72: {  	_ =	shalt  }
0x73: {  	_ =	shalt  }
0x74: {  	_ =	shalt  }
0x75: {  	_ =	shalt  }
0x76: {  	_ =	shalt  }
0x77: {  	_ =	shalt  }
0x78: {  	_ =	shalt  }
0x79: {  	_ =	shalt  }
0x7a: {  	_ =	shalt  }
0x7b: {  	_ =	shalt  }
0x7c: {  	_ =	shalt  }
0x7d: {  	_ =	shalt  }
0x7e: {  	_ =	shalt  }
0x7f: {  	_ =	shalt  }
0x80: {  	_ =	shalt  }
0x81: {  	_ =	shalt  }
0x82: {  	_ =	shalt  }
0x83: {  	_ =	shalt  }
0x84: {  	_ =	shalt  }
0x85: {  	_ =	shalt  }
0x86: {  	_ =	shalt  }
0x87: {  	_ =	shalt  }
.Lfunc_end0:
.L_simem_size_0:
called_computation_lowered:
.L_overlay_start_0:
0x88: {  	s2 =	sld [smem:$0x3FD9]  }
0x89: {  	s3 =	sld [smem:$0x3FFE];
	_ =	sdelay $0x1  }
0x8a: {  	s1 =	srdreg.scid  }
0x8b: {  	s0 =	sand.u32 $0x1, s1  }
0x8c: {  	s17 =	sshll.u32 s0, $0xA;
	s2 =	sadd.s32 s3, s2  }
0x8d: {  	s2 =	sadd.s32 s2, s17  }
0x8e: {  	[smem:$0x3FC4] =	sst s2  }
0x8f: {  	_ = 	snop  }
0x90: {  	s2 =	sld [smem:$0x3FC9]  }
0x91: {  	s18 =	sld [smem:$0x3FD0];
	(tm) =	ssettm $0x1  }
0x92: {  	s4 =	sld [smem:$0x3FFB];
	_ =	sdelay $0x3  }
0x93: {  	_ =	strace s4  }
0x94: {  	s4 =	sld [smem:$0x3FFC];
	_ =	sdelay $0x3  }
0x95: {  	_ =	strace s4  }
0x96: {  	s4 =	sld [smem:$0x3FFD];
	_ =	sdelay $0x3  }
0x97: {  	_ =	strace s4  }
0x98: {  	_ =	strace $0x8FFFFFFF  }
0x99: {  	s19 =	sld [smem:$0x3FDB];
	_ =	sdelay $0x1  }
0x9a: {  	s5 =	simm.s32 $_scs_section_size  }
0x9b: {  	s6 =	simm.s32 $_size__tile_overlayer_lowered;
	s7 =	simm.s32 $_tile_overlayer_lowered  }
0x9c: {  	s22 =	simm.s32 $0x1BFF;
	s21 =	sshll.u32 s7, $0x1;
	s4 =	sadd.s32 s5, s19  }
0x9d: {  	s8 =	simm.s32 $0x0;
	s20 =	sshll.u32 s6, $0x1;
	s6 =	sadd.s32 s21, s4  }
0x9e: {  	[timem:s8], [sflag:s22] =	dma.local [hbm:s6], s20  }
0x9f: {  	_ =	swait.ge [sflag:s22], s20  }
0xa0: {  	s5 =	ssub.s32 $0x0, s20;
	[sflag:s22] =	ssyncset.done $0x0  }
0xa1: {  	[sflag:s22] =	ssyncadd.s32 s5;
	_ =	sdelay $0x1  }
0xa2: {  	s23 =	simm.s32 $0x1B8B  }
0xa3: {  	_ =	swait.ge [sflag:s23], $0x1  }
0xa4: {  	[sflag:s23] =	ssyncset.done $0x0  }
0xa5: {  	s25 =	simm.s32 $0x1B8E;
	s24 =	sld [smem:$0x3FFE];
	[sflag:s23] =	ssyncadd.s32 $0xFFFFFFFF  }
0xa6: {  	s26 =	simm.s32 $execute0_lowered;
	[smem:$0x3FD2] =	sst s25  }
0xa7: {  	s6 =	sshll.u32 s26, $0x1;
	_ =	strace $0x80000046;
	[dreg:$0x1] =	wrdreg $0xFFFFFFFF  }
0xa8: {  	s28 =	simm.s32 $_size_execute0_lowered;
	s4 =	sadd.s32 s4, s6;
	[dreg:$0x0] =	wrdreg $0x0  }
0xa9: {  	s6 =	sshll.u32 s28, $0x1;
	[dreg:$0x2] =	wrdreg s4  }
0xaa: {  	[dreg:$0x3] =	wrdreg s6  }
0xab: {  	[dreg:$0x4] =	wrdreg $0xC0  }
0xac: {  	_ =	task [dreg:s8], $0x5FFFF  }
0xad: {  	[dreg:$0x1] =	wrdreg $0xFFFFFFFF  }
0xae: {  	[dreg:$0x0] =	wrdreg $0x60  }
0xaf: {  	[dreg:$0x2] =	wrdreg s2  }
0xb0: {  	[dreg:$0x3] =	wrdreg s24  }
0xb1: {  	[dreg:$0x4] =	wrdreg s18  }
0xb2: {  	[dreg:$0x5] =	wrdreg $0x9  }
0xb3: {  	_ =	task.clear_ibuf [dreg:s8], $0x6FFFF;
	_ =	strace $0x90000046  }
0xb4: {  	s29 =	simm.s32 $0x9;
	_ =	strace $0x80000048  }
0xb5: {  	_ =	swait.ge [sflag:s29], $0x1  }
0xb6: {  	[sflag:s29] =	ssyncadd.s32 $0xFFFFFFFF  }
0xb7: {  	_ =	strace $0x90000048  }
0xb8: {  	_ =	sfence  }
0xb9: {  	s30 =	sld [smem:$0x0];
	_ =	sdelay $0x2  }
0xba: {  	s31 =	sshll.u32 s1, $0xD;
	s1 =	sshrl.u32 s1, $0x2  }
0xbb: {  	s3 =	sand.u32 $0x4000, s31;
	s1 =	sadd.s32 s1, s30  }
0xbc: {  	s0 =	sor.u32 s3, s0;
	s1 =	sshll.u32 s1, $0x11  }
0xbd: {  	s0 =	sor.u32 s1, s0  }
0xbe: {  	s0 =	sadd.s32 $0x8F2B, s0  }
0xbf: {  	[sflag:s0] =	ssyncadd.remote.s32 $0x1  }
0xc0: {  	_ =	sfence.sel $0xFFFF  }
0xc1: {  	[dreg:$0x0] =	wrdreg $0xFFFFFFFF;
	(pc) =	sbr.abs _section_cstart, $3  }
0xc2: {  	[dreg:$0x1] =	wrdreg $0xFFFFFFFF  }
0xc3: {  	_ =	task.clear_ibuf [dreg:s8], $0x2FFFF;
	_ =	strace $0x9FFFFFFF  }
0xc4: {  	(tm) =	ssettm $0x7FFFFFFF  }
0xc5: {  	_ =	shalt  }
tec
execute0_lowered:
.L_overlay_start_1:
0x0: {  	(tag) =	ssettag $0x1  }
0x1: {  	s0 =	rddreg [dreg:$0x0]  }
0x2: {  	s2 =	rddreg [dreg:$0x1]  }
0x3: {  	s1 =	rddreg [dreg:$0x2];
	s3 =	simm.s32 $0x0;
	s4 =	srdreg.scid  }
0x4: {  	s5 =	stileid.u32;
	s10 =	simm.s32 $0x200;
	s11 =	simm.s32 $0x400  }
0x5: {  	s12 =	simm.s32 $0x1;
	s13 =	simm.s32 $0x4400;
	s14 =	simm.s32 $0x2  }
0x6: {  	s15 =	simm.s32 $0x8400;
	s16 =	simm.s32 $0x3;
	s17 =	simm.s32 $0x5  }
0x7: {  	s18 =	simm.s32 $0xC400;
	s19 =	simm.s32 $0x4;
	s20 =	simm.s32 $0x0  }
0x8: {  	[smem:$0x7FF] =	sst s3;
	s4 =	sand.u32 $0x1, s4;
	s5 =	sshll.u32 s5, $0x9  }
0x9: {  	s7 =	sadd.s32 $0x2A00, s2;
	s2 =	sadd.s32 $0x2800, s2;
	s6 =	sshll.u32 s4, $0x8  }
0xa: {  	_ =	strace $0x80000047;
	s4 =	ssub.s32 $0x2, s4;
	s5 =	sor.u32 s6, s5  }
0xb: {  	[dreg:$0x4] =	wrdreg s7;
	s30 =	sshrl.u32 s4, $0x1;
	s6 =	sshll.u32 s5, $0x8  }
0xc: {  	[dreg:$0x5] =	wrdreg s2;
	s2 =	ssub.s32 s4, s30;
	s31 =	sadd.s32 s0, s6  }
0xd: {  	s8 =	sadd.s32 $0x800, s0;
	s9 =	smax.u32 s2, $0x1;
	[dreg:$0x6] =	wrdreg s31  }
.LBB2_1:
0xe: {  	s0 =	rddreg [dreg:$0x4]  }
0xf: {  	[tilespmem:s3], [sflag:$0x1] =	stream.linear.gather [hbm4b:s0+s3], $0x200, $0x38;
	[tilespmem:$0x10400] =	vst v63  }
0x10: {  	s30 =	rddreg [dreg:$0x5]  }
0x11: {  	[tilespmem:s10], [sflag:$0x1] =	stream.linear.gather [hbm4b:s30+s3], $0x200, $0x38;
	[tilespmem:$0x10400] =	vst v63  }
0x12: {  	s31 =	rddreg [dreg:$0x6]  }
0x13: {  	[tilespmem:s11], [sflag:$0x2] =	stream.linear.gather [hbm4b:s31+s3], $0x4000, $0x38;
	[tilespmem:$0x10400] =	vst v63  }
0x14: {  	_ =	swait.ge [sflag:s12], $0x200  }
0x15: {  	[sflag:s12] =	ssyncset.done $0x0  }
0x16: {  	[sflag:s12] =	ssyncadd.s32 $0xFFFFFE00  }
0x17: {  	_ =	swait.ge [sflag:s12], $0x200  }
0x18: {  	[sflag:s12] =	ssyncset.done $0x0  }
0x19: {  	s21 =	simm.s32 $0x0;
	[sflag:s12] =	ssyncadd.s32 $0xFFFFFE00  }
.LBB2_2:
0x1a: {  	s0 =	sshll.u32 s21, $0x4  }
0x1b: {  	s22 =	sor.u32 s5, s0  }
0x1c: {  	s23 =	sshll.u32 s22, $0x8  }
0x1d: {  	s6 =	sadd.s32 s23, s8  }
0x1e: {  	[tilespmem:s13], [sflag:$0x3] =	stream.linear.gather [hbm4b:s6+s3], $0x4000, $0x38;
	[tilespmem:$0x10400] =	vst v63  }
0x1f: {  	_ =	swait.ge [sflag:s14], $0x4000  }
0x20: {  	p0 =	seq.s32 s21, $0x0;
	[sflag:s14] =	ssyncset.done $0x0  }
0x21: {  	s0 =	simm.s32 @!p0 $0x4;
	[sflag:s14] =	ssyncadd.s32 $0xFFFFC000  }
0x22: {  	s24 =	simm.s32 $0x0;
	_ =	swait.ge @!p0 [sflag:s0], $0x4000  }
0x23: {  	s2 =	sand.u32 $0x70, s24;
	s4 =	sand.u32 $0x3C00, s24;
	[sflag:s0] =	ssyncset.done @!p0 $0x0  }
0x24: {  	[sflag:s0] =	ssyncadd.s32 @!p0 $0xFFFFC000;
	s0 =	sor.u32 s2, s4  }
0x25: {  	v0 =	vld [tilespmem:s0+$0x400];
	_ =	sdelay $0x4  }
0x26: {  	v0 =	vmax.f32 v0, $-8.000000000e+00  }
0x27: {  	v0 =	vmin.f32 v0, $8.000000000e+00  }
0x28: {  	v1 =	vmul.f32 $3.200000000e+01, v0;
	_ =	sdelay $0x1  }
0x29: {  	v1 =	vadd.f32 $2.560000000e+02, v1  }
0x2a: {  	v2 =	vld [tilespmem:s0+$0x480]  }
0x2b: {  	v1 =	vtrunc.f32 v1  }
0x2c: {  	v1 =	vcvt.f32.s32 v1;
	_ =	sdelay $0x1  }
0x2d: {  	vm0 =	vlt.s32 v1, $0x1FF  }
0x2e: {  	v2 =	vmax.f32 v2, $-8.000000000e+00;
	v1 =	vnsel vm0, $0x1FF, v1  }
0x2f: {  	v2 =	vmin.f32 v2, $8.000000000e+00  }
0x30: {  	v3 =	vmul.f32 $3.200000000e+01, v2;
	_ =	sdelay $0x1  }
0x31: {  	v4 =	vld [tilespmem:s0+$0x500];
	v3 =	vadd.f32 $2.560000000e+02, v3  }
0x32: {  	v5 =	vld.idx.msk [tilespmem:v1+s3+$0x0], $0xffff  }
0x33: {  	v3 =	vtrunc.f32 v3  }
0x34: {  	v3 =	vcvt.f32.s32 v3;
	v1 =	vld.idx.msk [tilespmem:v1+s10+$0x0], $0xffff  }
0x35: {  	s7 =	simm.s32 $0x10;
	s25 =	simm.s32 $0x80  }
0x36: {  	s26 =	sand.u32 $0x3C00, s25;
	s2 =	sand.u32 $0x70, s7;
	vm0 =	vlt.s32 v3, $0x1FF  }
0x37: {  	s26 =	sor.u32 s2, s26;
	v4 =	vmax.f32 v4, $-8.000000000e+00;
	v3 =	vnsel vm0, $0x1FF, v3;
	v0 =	vmul.f32 v0, v5  }
0x38: {  	v4 =	vmin.f32 v4, $8.000000000e+00;
	v5 =	vld [tilespmem:s26+$0x400]  }
0x39: {  	v0 =	vadd.f32 v0, v1;
	v1 =	vmul.f32 $3.200000000e+01, v4;
	_ =	sdelay $0x1  }
0x3a: {  	v6 =	vld [tilespmem:s0+$0x580];
	[tilespmem:s0+$0x8400] =	vst v0;
	v0 =	vadd.f32 $2.560000000e+02, v1  }
0x3b: {  	v1 =	vld.idx.msk [tilespmem:v3+s3+$0x0], $0xffff  }
0x3c: {  	v5 =	vmax.f32 v5, $-8.000000000e+00;
	v0 =	vtrunc.f32 v0  }
0x3d: {  	v3 =	vld.idx.msk [tilespmem:v3+s10+$0x0], $0xffff;
	v5 =	vmin.f32 v5, $8.000000000e+00;
	v0 =	vcvt.f32.s32 v0  }
0x3e: {  	v7 =	vmul.f32 $3.200000000e+01, v5  }
0x3f: {  	v6 =	vmax.f32 v6, $-8.000000000e+00;
	vm0 =	vlt.s32 v0, $0x1FF  }
0x40: {  	v7 =	vadd.f32 $2.560000000e+02, v7;
	v1 =	vmul.f32 v2, v1;
	v0 =	vnsel vm0, $0x1FF, v0  }
0x41: {  	v6 =	vmin.f32 v6, $8.000000000e+00;
	v2 =	vld [tilespmem:s26+$0x480]  }
0x42: {  	v8 =	vmul.f32 $3.200000000e+01, v6;
	v7 =	vtrunc.f32 v7;
	v1 =	vadd.f32 v1, v3  }
0x43: {  	v3 =	vcvt.f32.s32 v7  }
0x44: {  	[tilespmem:s0+$0x8480] =	vst v1;
	v1 =	vadd.f32 $2.560000000e+02, v8  }
0x45: {  	vm0 =	vlt.s32 v3, $0x1FF;
	v7 =	vld.idx.msk [tilespmem:v0+s3+$0x0], $0xffff  }
0x46: {  	v8 =	vld [tilespmem:s0+$0x600];
	v2 =	vmax.f32 v2, $-8.000000000e+00;
	v3 =	vnsel vm0, $0x1FF, v3;
	v1 =	vtrunc.f32 v1  }
0x47: {  	v0 =	vld.idx.msk [tilespmem:v0+s10+$0x0], $0xffff;
	v2 =	vmin.f32 v2, $8.000000000e+00;
	v1 =	vcvt.f32.s32 v1  }
0x48: {  	v9 =	vmul.f32 $3.200000000e+01, v2  }
0x49: {  	vm0 =	vlt.s32 v1, $0x1FF  }
0x4a: {  	v10 =	vld [tilespmem:s26+$0x500];
	v9 =	vadd.f32 $2.560000000e+02, v9;
	v4 =	vmul.f32 v4, v7;
	v1 =	vnsel vm0, $0x1FF, v1  }
0x4b: {  	v7 =	vld.idx.msk [tilespmem:v3+s3+$0x0], $0xffff  }
0x4c: {  	v8 =	vmax.f32 v8, $-8.000000000e+00;
	v9 =	vtrunc.f32 v9;
	v0 =	vadd.f32 v4, v0  }
0x4d: {  	s28 =	simm.s32 $0x100;
	s6 =	simm.s32 $0x20;
	v3 =	vld.idx.msk [tilespmem:v3+s10+$0x0], $0xffff;
	v4 =	vmin.f32 v8, $8.000000000e+00;
	v8 =	vcvt.f32.s32 v9  }
0x4e: {  	s7 =	sand.u32 $0x3C00, s28;
	v11 =	vld [tilespmem:s0+$0x680];
	s2 =	sand.u32 $0x70, s6;
	v9 =	vmul.f32 $3.200000000e+01, v4;
	[tilespmem:s0+$0x8500] =	vst v0  }
0x4f: {  	s29 =	sor.u32 s2, s7;
	v0 =	vmax.f32 v10, $-8.000000000e+00;
	vm0 =	vlt.s32 v8, $0x1FF;
	v10 =	vld.idx.msk [tilespmem:v1+s3+$0x0], $0xffff  }
0x50: {  	v9 =	vadd.f32 $2.560000000e+02, v9;
	v5 =	vmul.f32 v5, v7;
	v7 =	vnsel vm0, $0x1FF, v8;
	v8 =	vld [tilespmem:s29+$0x400]  }
0x51: {  	v0 =	vmin.f32 v0, $8.000000000e+00  }
0x52: {  	v12 =	vld [tilespmem:s26+$0x580];
	v3 =	vadd.f32 v5, v3;
	v5 =	vtrunc.f32 v9;
	v9 =	vmul.f32 $3.200000000e+01, v0  }
0x53: {  	v1 =	vld.idx.msk [tilespmem:v1+s10+$0x0], $0xffff;
	v5 =	vcvt.f32.s32 v5  }
0x54: {  	[tilespmem:s26+$0x8400] =	vst v3;
	v3 =	vmax.f32 v11, $-8.000000000e+00;
	v9 =	vadd.f32 $2.560000000e+02, v9  }
0x55: {  	v11 =	vld.idx.msk [tilespmem:v7+s3+$0x0], $0xffff;
	vm0 =	vlt.s32 v5, $0x1FF;
	v8 =	vmax.f32 v8, $-8.000000000e+00;
	v6 =	vmul.f32 v6, v10  }
0x56: {  	v5 =	vnsel vm0, $0x1FF, v5;
	v8 =	vmin.f32 v8, $8.000000000e+00;
	v9 =	vtrunc.f32 v9  }
0x57: {  	v7 =	vld.idx.msk [tilespmem:v7+s10+$0x0], $0xffff;
	v3 =	vmin.f32 v3, $8.000000000e+00;
	v10 =	vmul.f32 $3.200000000e+01, v8;
	v9 =	vcvt.f32.s32 v9  }
0x58: {  	v12 =	vmax.f32 v12, $-8.000000000e+00;
	v1 =	vadd.f32 v6, v1;
	v6 =	vmul.f32 $3.200000000e+01, v3  }
0x59: {  	v14 =	vld [tilespmem:s29+$0x480];
	v12 =	vmin.f32 v12, $8.000000000e+00;
	v10 =	vadd.f32 $2.560000000e+02, v10;
	vm0 =	vlt.s32 v9, $0x1FF  }
0x5a: {  	[tilespmem:s0+$0x8580] =	vst v1;
	v6 =	vadd.f32 $2.560000000e+02, v6;
	v1 =	vmul.f32 v2, v11;
	v2 =	vnsel vm0, $0x1FF, v9  }
0x5b: {  	v9 =	vmul.f32 $3.200000000e+01, v12;
	v11 =	vld.idx.msk [tilespmem:v5+s3+$0x0], $0xffff;
	v10 =	vtrunc.f32 v10  }
0x5c: {  	v15 =	vld [tilespmem:s0+$0x700];
	v6 =	vtrunc.f32 v6;
	v10 =	vcvt.f32.s32 v10;
	v1 =	vadd.f32 v1, v7  }
0x5d: {  	v5 =	vld.idx.msk [tilespmem:v5+s10+$0x0], $0xffff;
	v6 =	vcvt.f32.s32 v6  }
0x5e: {  	v13 =	vld [tilespmem:s26+$0x600];
	v7 =	vmax.f32 v14, $-8.000000000e+00;
	vm0 =	vlt.s32 v10, $0x1FF;
	[tilespmem:s26+$0x8480] =	vst v1;
	v1 =	vadd.f32 $2.560000000e+02, v9  }
0x5f: {  	v7 =	vmin.f32 v7, $8.000000000e+00;
	v9 =	vnsel vm0, $0x1FF, v10;
	v10 =	vld.idx.msk [tilespmem:v2+s3+$0x0], $0xffff  }
0x60: {  	vm0 =	vlt.s32 v6, $0x1FF;
	v4 =	vmul.f32 v4, v11;
	v1 =	vtrunc.f32 v1  }
0x61: {  	v2 =	vld.idx.msk [tilespmem:v2+s10+$0x0], $0xffff;
	v6 =	vnsel vm0, $0x1FF, v6;
	v11 =	vmax.f32 v15, $-8.000000000e+00;
	v1 =	vcvt.f32.s32 v1  }
0x62: {  	v16 =	vld [tilespmem:s26+$0x700];
	v15 =	vmul.f32 $3.200000000e+01, v7;
	v11 =	vmin.f32 v11, $8.000000000e+00;
	v4 =	vadd.f32 v4, v5  }
0x63: {  	v14 =	vld [tilespmem:s29+$0x500];
	v5 =	vmax.f32 v13, $-8.000000000e+00;
	v13 =	vmul.f32 $3.200000000e+01, v11;
	vm0 =	vlt.s32 v1, $0x1FF  }
0x64: {  	v15 =	vadd.f32 $2.560000000e+02, v15;
	v17 =	vld.idx.msk [tilespmem:v9+s3+$0x0], $0xffff;
	v0 =	vmul.f32 v0, v10;
	v1 =	vnsel vm0, $0x1FF, v1  }
0x65: {  	v5 =	vmin.f32 v5, $8.000000000e+00;
	[tilespmem:s0+$0x8600] =	vst v4;
	v4 =	vadd.f32 $2.560000000e+02, v13;
	v9 =	vld.idx.msk [tilespmem:v9+s10+$0x0], $0xffff  }
0x66: {  	v13 =	vmul.f32 $3.200000000e+01, v5;
	v15 =	vtrunc.f32 v15;
	v10 =	vld.idx.msk [tilespmem:v6+s3+$0x0], $0xffff;
	v0 =	vadd.f32 v0, v2  }
0x67: {  	s31 =	simm.s32 $0x180;
	s6 =	simm.s32 $0x30;
	v6 =	vld.idx.msk [tilespmem:v6+s10+$0x0], $0xffff;
	v2 =	vtrunc.f32 v4;
	v4 =	vcvt.f32.s32 v15  }
0x68: {  	s2 =	sand.u32 $0x70, s6;
	s7 =	sand.u32 $0x3C00, s31;
	v15 =	vld [tilespmem:s26+$0x680];
	v2 =	vcvt.f32.s32 v2;
	[tilespmem:s26+$0x8500] =	vst v0  }
0x69: {  	s30 =	sor.u32 s2, s7;
	v13 =	vadd.f32 $2.560000000e+02, v13;
	v0 =	vmax.f32 v14, $-8.000000000e+00;
	vm0 =	vlt.s32 v4, $0x1FF;
	v14 =	vld.idx.msk [tilespmem:v1+s3+$0x0], $0xffff  }
0x6a: {  	v8 =	vmul.f32 v8, v17;
	v4 =	vnsel vm0, $0x1FF, v4;
	vm0 =	vlt.s32 v2, $0x1FF;
	v17 =	vld [tilespmem:s30+$0x400]  }
0x6b: {  	v0 =	vmin.f32 v0, $8.000000000e+00;
	v3 =	vmul.f32 v3, v10;
	v10 =	vnsel vm0, $0x1FF, v2  }
0x6c: {  	v18 =	vld [tilespmem:s29+$0x580];
	v2 =	vadd.f32 v8, v9;
	v8 =	vtrunc.f32 v13;
	v9 =	vmul.f32 $3.200000000e+01, v0  }
0x6d: {  	v1 =	vld.idx.msk [tilespmem:v1+s10+$0x0], $0xffff;
	v8 =	vcvt.f32.s32 v8;
	v3 =	vadd.f32 v3, v6  }
0x6e: {  	v13 =	vld [tilespmem:s29+$0x600];
	v6 =	vmax.f32 v16, $-8.000000000e+00;
	[tilespmem:s29+$0x8400] =	vst v2;
	v2 =	vmax.f32 v15, $-8.000000000e+00;
	v15 =	vadd.f32 $2.560000000e+02, v9  }
0x6f: {  	v16 =	vld.idx.msk [tilespmem:v4+s3+$0x0], $0xffff;
	vm0 =	vlt.s32 v8, $0x1FF;
	[tilespmem:s0+$0x8680] =	vst v3;
	v3 =	vmax.f32 v17, $-8.000000000e+00;
	v12 =	vmul.f32 v12, v14  }
0x70: {  	v8 =	vnsel vm0, $0x1FF, v8;
	v14 =	vld.idx.msk [tilespmem:v10+s3+$0x0], $0xffff;
	v9 =	vmin.f32 v3, $8.000000000e+00;
	v3 =	vtrunc.f32 v15  }
0x71: {  	v2 =	vmin.f32 v2, $8.000000000e+00;
	v15 =	vld.idx.msk [tilespmem:v4+s10+$0x0], $0xffff;
	v17 =	vmul.f32 $3.200000000e+01, v9;
	v3 =	vcvt.f32.s32 v3  }
0x72: {  	v4 =	vmax.f32 v18, $-8.000000000e+00;
	v10 =	vld.idx.msk [tilespmem:v10+s10+$0x0], $0xffff;
	v1 =	vadd.f32 v12, v1;
	v12 =	vmul.f32 $3.200000000e+01, v2  }
0x73: {  	v18 =	vld [tilespmem:s30+$0x480];
	v4 =	vmin.f32 v4, $8.000000000e+00;
	v17 =	vadd.f32 $2.560000000e+02, v17;
	vm0 =	vlt.s32 v3, $0x1FF  }
0x74: {  	[tilespmem:s26+$0x8580] =	vst v1;
	v1 =	vmul.f32 v7, v16;
	v7 =	vnsel vm0, $0x1FF, v3;
	v3 =	vadd.f32 $2.560000000e+02, v12  }
0x75: {  	v12 =	vmax.f32 v13, $-8.000000000e+00;
	v13 =	vld.idx.msk [tilespmem:v8+s3+$0x0], $0xffff;
	v16 =	vtrunc.f32 v17;
	v11 =	vmul.f32 v11, v14  }
0x76: {  	s6 =	sand.u32 $0x7, s24;
	v14 =	vcvt.f32.s32 v16;
	v15 =	vadd.f32 v1, v15;
	v1 =	vtrunc.f32 v3  }
0x77: {  	s2 =	sshll.u32 s6, $0x4;
	v8 =	vld.idx.msk [tilespmem:v8+s10+$0x0], $0xffff;
	v3 =	vmul.f32 $3.200000000e+01, v4;
	v16 =	vcvt.f32.s32 v1;
	v10 =	vadd.f32 v11, v10  }
0x78: {  	s2 =	sadd.s32 $0x0, s2;
	v11 =	vmax.f32 v18, $-8.000000000e+00;
	v1 =	vmin.f32 v6, $8.000000000e+00;
	vm0 =	vlt.s32 v14, $0x1FF;
	[tilespmem:s29+$0x8480] =	vst v15  }
0x79: {  	v15 =	vadd.f32 $2.560000000e+02, v3;
	v3 =	vmin.f32 v12, $8.000000000e+00;
	v14 =	vnsel vm0, $0x1FF, v14;
	v17 =	vld.idx.msk [tilespmem:v7+s3+$0x0], $0xffff;
	[tilespmem:s0+$0x8700] =	vst v10;
	s0 =	sor.u32 $0x380, s2  }
0x7a: {  	v12 =	vmin.f32 v11, $8.000000000e+00;
	vm0 =	vlt.s32 v16, $0x1FF;
	v5 =	vmul.f32 v5, v13;
	v18 =	vld [tilespmem:s0+$0x400]  }
0x7b: {  	v6 =	vld [tilespmem:s30+$0x500];
	v10 =	vnsel vm0, $0x1FF, v16;
	v11 =	vtrunc.f32 v15;
	v15 =	vmul.f32 $3.200000000e+01, v12  }
0x7c: {  	v7 =	vld.idx.msk [tilespmem:v7+s10+$0x0], $0xffff;
	v13 =	vmul.f32 $3.200000000e+01, v1;
	v11 =	vcvt.f32.s32 v11;
	v5 =	vadd.f32 v5, v8  }
0x7d: {  	v21 =	vld [tilespmem:s29+$0x700];
	v20 =	vmul.f32 $3.200000000e+01, v3;
	v15 =	vadd.f32 $2.560000000e+02, v15  }
0x7e: {  	vm0 =	vlt.s32 v11, $0x1FF;
	v16 =	vld.idx.msk [tilespmem:v14+s3+$0x0], $0xffff;
	[tilespmem:s26+$0x8600] =	vst v5;
	v5 =	vadd.f32 $2.560000000e+02, v13;
	v22 =	vmul.f32 v0, v17  }
0x7f: {  	v13 =	vnsel vm0, $0x1FF, v11;
	v17 =	vld.idx.msk [tilespmem:v14+s10+$0x0], $0xffff;
	v11 =	vtrunc.f32 v15;
	v0 =	vmax.f32 v18, $-8.000000000e+00  }
0x80: {  	v6 =	vmax.f32 v6, $-8.000000000e+00;
	v8 =	vld.idx.msk [tilespmem:v10+s3+$0x0], $0xffff;
	v19 =	vcvt.f32.s32 v11;
	v0 =	vmin.f32 v0, $8.000000000e+00  }
0x81: {  	v14 =	vld [tilespmem:s29+$0x680];
	v5 =	vtrunc.f32 v5;
	v15 =	vadd.f32 v22, v7;
	v63 =	vmul.f32 $3.200000000e+01, v0  }
0x82: {  	s4 =	simm.s32 $0x50;
	s7 =	simm.s32 $0x40;
	s2 =	simm.s32 $0x200;
	v7 =	vld.idx.msk [tilespmem:v10+s10+$0x0], $0xffff;
	v10 =	vmin.f32 v6, $8.000000000e+00;
	v6 =	vmax.f32 v21, $-8.000000000e+00;
	v11 =	vcvt.f32.s32 v5  }
0x83: {  	s6 =	sand.u32 $0x70, s7;
	s7 =	sand.u32 $0x3C00, s2;
	v18 =	vld [tilespmem:s30+$0x580];
	vm0 =	vlt.s32 v19, $0x1FF;
	[tilespmem:s29+$0x8500] =	vst v15;
	v15 =	vadd.f32 $2.560000000e+02, v20;
	v5 =	vadd.f32 $2.560000000e+02, v63  }
.LBB2_3:
0x84: {  	p1 =	sne.s32 s4, $0x7F0;
	s6 =	sor.u32 s6, s7;
	v9 =	vmul.f32 v9, v16;
	v16 =	vnsel vm0, $0x1FF, v19;
	v19 =	vld.idx.msk [tilespmem:v13+s3+$0x0], $0xffff;
	vm0 =	vlt.s32 v11, $0x1FF  }
0x85: {  	v2 =	vmul.f32 v2, v8;
	v20 =	vld [tilespmem:s6+$0x400];
	v8 =	vnsel vm0, $0x1FF, v11;
	v5 =	vtrunc.f32 v5  }
0x86: {  	v9 =	vadd.f32 v9, v17;
	v11 =	vld.idx.msk [tilespmem:v13+s10+$0x0], $0xffff;
	v13 =	vtrunc.f32 v15;
	v5 =	vcvt.f32.s32 v5  }
0x87: {  	v15 =	vmul.f32 $3.200000000e+01, v10;
	v2 =	vadd.f32 v2, v7;
	v17 =	vld [tilespmem:s30+$0x600];
	v13 =	vcvt.f32.s32 v13  }
0x88: {  	v14 =	vmax.f32 v14, $-8.000000000e+00;
	v7 =	vld [tilespmem:s6+$0x480];
	[tilespmem:s30+$0x8400] =	vst v9;
	v18 =	vmax.f32 v18, $-8.000000000e+00;
	vm0 =	vlt.s32 v5, $0x1FF  }
0x89: {  	v15 =	vadd.f32 $2.560000000e+02, v15;
	v21 =	vld.idx.msk [tilespmem:v16+s3+$0x0], $0xffff;
	vm1 =	vlt.s32 v13, $0x1FF;
	[tilespmem:s26+$0x8680] =	vst v2;
	v5 =	vnsel vm0, $0x1FF, v5  }
0x8a: {  	v4 =	vmul.f32 v4, v19;
	v2 =	vmax.f32 v20, $-8.000000000e+00;
	v13 =	vnsel vm1, $0x1FF, v13;
	v19 =	vld.idx.msk [tilespmem:v8+s3+$0x0], $0xffff  }
0x8b: {  	v15 =	vtrunc.f32 v15;
	v9 =	vmin.f32 v2, $8.000000000e+00;
	v16 =	vld.idx.msk [tilespmem:v16+s10+$0x0], $0xffff;
	v2 =	vmin.f32 v14, $8.000000000e+00  }
0x8c: {  	v15 =	vcvt.f32.s32 v15;
	v11 =	vadd.f32 v4, v11;
	v14 =	vmul.f32 $3.200000000e+01, v9;
	v8 =	vld.idx.msk [tilespmem:v8+s10+$0x0], $0xffff  }
0x8d: {  	v4 =	vmin.f32 v18, $8.000000000e+00;
	v17 =	vmax.f32 v17, $-8.000000000e+00;
	v18 =	vmul.f32 $3.200000000e+01, v2  }
0x8e: {  	v20 =	vmul.f32 $3.200000000e+01, v4;
	vm0 =	vlt.s32 v15, $0x1FF;
	v14 =	vadd.f32 $2.560000000e+02, v14;
	[tilespmem:s29+$0x8580] =	vst v11;
	v11 =	vld.idx.msk [tilespmem:v5+s3+$0x0], $0xffff  }
0x8f: {  	v12 =	vmul.f32 v12, v21;
	v15 =	vnsel vm0, $0x1FF, v15;
	v18 =	vadd.f32 $2.560000000e+02, v18;
	v21 =	vld.idx.msk [tilespmem:v13+s3+$0x0], $0xffff  }
0x90: {  	s24 =	sadd.s32 $0x1, s24;
	v7 =	vmax.f32 v7, $-8.000000000e+00;
	v19 =	vmul.f32 v1, v19;
	v14 =	vtrunc.f32 v14;
	v5 =	vld.idx.msk [tilespmem:v5+s10+$0x0], $0xffff  }
0x91: {  	s7 =	sand.u32 $0x7, s24;
	v12 =	vadd.f32 v12, v16;
	v1 =	vtrunc.f32 v18;
	v14 =	vcvt.f32.s32 v14;
	v13 =	vld.idx.msk [tilespmem:v13+s10+$0x0], $0xffff  }
0x92: {  	s7 =	sshll.u32 s7, $0x4;
	v16 =	vcvt.f32.s32 v1;
	v1 =	vmin.f32 v6, $8.000000000e+00;
	v6 =	vadd.f32 v19, v8  }
0x93: {  	s7 =	sadd.s32 s7, s25;
	s25 =	smov.u32 s28;
	s28 =	smov.u32 s31;
	v17 =	vmin.f32 v17, $8.000000000e+00;
	v18 =	vadd.f32 $2.560000000e+02, v20;
	vm0 =	vlt.s32 v14, $0x1FF;
	v8 =	vld [tilespmem:s6+$0x500];
	[tilespmem:s30+$0x8480] =	vst v12  }
0x94: {  	s7 =	sor.u32 $0x380, s7;
	v0 =	vmul.f32 v0, v11;
	v14 =	vnsel vm0, $0x1FF, v14;
	v19 =	vld.idx.msk [tilespmem:v15+s3+$0x0], $0xffff;
	vm0 =	vlt.s32 v16, $0x1FF;
	[tilespmem:s26+$0x8700] =	vst v6;
	s26 =	smov.u32 s29;
	s29 =	smov.u32 s30  }
0x95: {  	s31 =	smov.u32 s2;
	v12 =	vmin.f32 v7, $8.000000000e+00;
	v6 =	vmul.f32 v3, v21;
	v3 =	vmovc v17;
	s30 =	smov.u32 s6;
	v7 =	vnsel vm0, $0x1FF, v16;
	v11 =	vld [tilespmem:s7+$0x400]  }
0x96: {  	v17 =	vmul.f32 $3.200000000e+01, v1;
	v16 =	vtrunc.f32 v18;
	v0 =	vadd.f32 v0, v5;
	v15 =	vld.idx.msk [tilespmem:v15+s10+$0x0], $0xffff  }
0x97: {  	v5 =	vmul.f32 $3.200000000e+01, v12;
	v18 =	vcvt.f32.s32 v16;
	v6 =	vadd.f32 v6, v13  }
0x98: {  	v21 =	vmul.f32 $3.200000000e+01, v3;
	v20 =	vmax.f32 v8, $-8.000000000e+00;
	v22 =	vld [tilespmem:s29+$0x700];
	[tilespmem:s0+$0x8400] =	vst v0;
	s0 =	smov.u32 s7  }
0x99: {  	v0 =	vadd.f32 $2.560000000e+02, v5;
	vm0 =	vlt.s32 v18, $0x1FF;
	v5 =	vadd.f32 $2.560000000e+02, v17;
	v16 =	vld.idx.msk [tilespmem:v14+s3+$0x0], $0xffff;
	[tilespmem:s26+$0x8600] =	vst v6  }
.Ltmp0:
0x9a: {  	v6 =	vmul.f32 v10, v19;
	v13 =	vnsel vm0, $0x1FF, v18;
	v8 =	vld.idx.msk [tilespmem:v7+s3+$0x0], $0xffff;
	v10 =	vmax.f32 v11, $-8.000000000e+00;
	(pc) =	sbr.rel @p1 .LBB2_3-.Ltmp0, $4  }
0x9b: {  	v11 =	vtrunc.f32 v0;
	v5 =	vtrunc.f32 v5;
	v17 =	vld.idx.msk [tilespmem:v14+s10+$0x0], $0xffff;
	v0 =	vmin.f32 v10, $8.000000000e+00  }
0x9c: {  	v19 =	vcvt.f32.s32 v11;
	v15 =	vadd.f32 v6, v15;
	v7 =	vld.idx.msk [tilespmem:v7+s10+$0x0], $0xffff;
	v23 =	vmul.f32 $3.200000000e+01, v0  }
0x9d: {  	s2 =	sadd.s32 $0x80, s2;
	v10 =	vmin.f32 v20, $8.000000000e+00;
	v11 =	vcvt.f32.s32 v5;
	v14 =	vld [tilespmem:s29+$0x680];
	v6 =	vmax.f32 v22, $-8.000000000e+00  }
0x9e: {  	s6 =	sand.u32 $0x70, s4;
	s4 =	sadd.s32 $0x10, s4;
	s7 =	sand.u32 $0x3C00, s2;
	vm0 =	vlt.s32 v19, $0x1FF;
	v18 =	vld [tilespmem:s30+$0x580];
	[tilespmem:s29+$0x8500] =	vst v15;
	v15 =	vadd.f32 $2.560000000e+02, v21;
	v5 =	vadd.f32 $2.560000000e+02, v23  }
0x9f: {  	s4 =	sor.u32 s6, s7  }
0xa0: {  	v20 =	vld [tilespmem:s4+$0x400];
	_ =	sdelay $0x4  }
0xa1: {  	v20 =	vmax.f32 v20, $-8.000000000e+00  }
0xa2: {  	v20 =	vmin.f32 v20, $8.000000000e+00  }
0xa3: {  	v21 =	vmul.f32 $3.200000000e+01, v20;
	_ =	sdelay $0x1  }
0xa4: {  	v21 =	vadd.f32 $2.560000000e+02, v21  }
0xa5: {  	v22 =	vld [tilespmem:s4+$0x480]  }
0xa6: {  	v21 =	vtrunc.f32 v21  }
0xa7: {  	v21 =	vcvt.f32.s32 v21;
	_ =	sdelay $0x1  }
0xa8: {  	vm1 =	vlt.s32 v21, $0x1FF  }
0xa9: {  	v22 =	vmax.f32 v22, $-8.000000000e+00;
	v21 =	vnsel vm1, $0x1FF, v21  }
0xaa: {  	v22 =	vmin.f32 v22, $8.000000000e+00  }
0xab: {  	v23 =	vmul.f32 $3.200000000e+01, v22;
	_ =	sdelay $0x1  }
0xac: {  	v24 =	vld [tilespmem:s4+$0x500];
	v23 =	vadd.f32 $2.560000000e+02, v23  }
0xad: {  	v25 =	vld.idx.msk [tilespmem:v21+s3+$0x0], $0xffff  }
0xae: {  	v59 =	vtrunc.f32 v23  }
0xaf: {  	v9 =	vmul.f32 v9, v16;
	v58 =	vnsel vm0, $0x1FF, v19;
	v19 =	vcvt.f32.s32 v59;
	v21 =	vld.idx.msk [tilespmem:v21+s10+$0x0], $0xffff;
	_ =	sdelay $0x1  }
0xb0: {  	v9 =	vadd.f32 v9, v17;
	vm8 =	vlt.s32 v19, $0x1FF  }
0xb1: {  	v62 =	vmax.f32 v24, $-8.000000000e+00;
	v19 =	vnsel vm8, $0x1FF, v19;
	v20 =	vmul.f32 v20, v25  }
0xb2: {  	v60 =	vmul.f32 $3.200000000e+01, v10;
	[tilespmem:s30+$0x8400] =	vst v9;
	v9 =	vmin.f32 v62, $8.000000000e+00  }
0xb3: {  	v27 =	vmul.f32 $3.200000000e+01, v9;
	v20 =	vadd.f32 v20, v21  }
0xb4: {  	v30 =	vld [tilespmem:s4+$0x580];
	v17 =	vadd.f32 $2.560000000e+02, v60  }
0xb5: {  	v63 =	vld.idx.msk [tilespmem:v58+s3+$0x0], $0xffff;
	v28 =	vadd.f32 $2.560000000e+02, v27;
	[tilespmem:s4+$0x8400] =	vst v20  }
0xb6: {  	v17 =	vtrunc.f32 v17;
	v29 =	vld.idx.msk [tilespmem:v19+s3+$0x0], $0xffff  }
0xb7: {  	v16 =	vld.idx.msk [tilespmem:v58+s10+$0x0], $0xffff;
	v17 =	vcvt.f32.s32 v17;
	v20 =	vtrunc.f32 v28  }
0xb8: {  	v18 =	vmax.f32 v18, $-8.000000000e+00;
	v19 =	vld.idx.msk [tilespmem:v19+s10+$0x0], $0xffff;
	v20 =	vcvt.f32.s32 v20  }
0xb9: {  	v18 =	vmin.f32 v18, $8.000000000e+00;
	vm9 =	vlt.s32 v17, $0x1FF  }
0xba: {  	v17 =	vnsel vm9, $0x1FF, v17;
	v12 =	vmul.f32 v12, v63;
	vm10 =	vlt.s32 v20, $0x1FF  }
0xbb: {  	v34 =	vmax.f32 v30, $-8.000000000e+00;
	v20 =	vnsel vm10, $0x1FF, v20;
	v32 =	vmul.f32 v22, v29  }
0xbc: {  	v31 =	vmul.f32 $3.200000000e+01, v18;
	v12 =	vadd.f32 v12, v16;
	v21 =	vmin.f32 v34, $8.000000000e+00  }
0xbd: {  	v61 =	vld [tilespmem:s30+$0x600];
	v36 =	vmul.f32 $3.200000000e+01, v21;
	v16 =	vadd.f32 v32, v19  }
0xbe: {  	v39 =	vld [tilespmem:s4+$0x600];
	v33 =	vadd.f32 $2.560000000e+02, v31;
	[tilespmem:s30+$0x8480] =	vst v12  }
0xbf: {  	v35 =	vld.idx.msk [tilespmem:v17+s3+$0x0], $0xffff;
	v37 =	vadd.f32 $2.560000000e+02, v36;
	[tilespmem:s4+$0x8480] =	vst v16  }
0xc0: {  	v15 =	vtrunc.f32 v15;
	v12 =	vtrunc.f32 v33;
	v38 =	vld.idx.msk [tilespmem:v20+s3+$0x0], $0xffff  }
0xc1: {  	v17 =	vld.idx.msk [tilespmem:v17+s10+$0x0], $0xffff;
	v12 =	vcvt.f32.s32 v12;
	v16 =	vtrunc.f32 v37  }
0xc2: {  	v15 =	vcvt.f32.s32 v15;
	v20 =	vld.idx.msk [tilespmem:v20+s10+$0x0], $0xffff;
	v16 =	vcvt.f32.s32 v16  }
0xc3: {  	v41 =	vld.idx.msk [tilespmem:v13+s3+$0x0], $0xffff;
	v47 =	vmax.f32 v39, $-8.000000000e+00;
	v23 =	vmax.f32 v61, $-8.000000000e+00;
	vm11 =	vlt.s32 v12, $0x1FF  }
0xc4: {  	v12 =	vnsel vm11, $0x1FF, v12;
	v40 =	vmul.f32 v10, v35;
	vm12 =	vlt.s32 v16, $0x1FF  }
0xc5: {  	v45 =	vld.idx.msk [tilespmem:v13+s10+$0x0], $0xffff;
	v43 =	vmin.f32 v23, $8.000000000e+00;
	v16 =	vnsel vm12, $0x1FF, v16;
	v9 =	vmul.f32 v9, v38  }
0xc6: {  	v46 =	vmul.f32 $3.200000000e+01, v43;
	v10 =	vadd.f32 v40, v17;
	v19 =	vmin.f32 v47, $8.000000000e+00  }
0xc7: {  	v44 =	vld [tilespmem:s30+$0x680];
	v14 =	vmax.f32 v14, $-8.000000000e+00;
	v49 =	vmul.f32 $3.200000000e+01, v19;
	v9 =	vadd.f32 v9, v20  }
0xc8: {  	v53 =	vld [tilespmem:s4+$0x680];
	v14 =	vmin.f32 v14, $8.000000000e+00;
	v4 =	vmul.f32 v4, v41;
	[tilespmem:s30+$0x8500] =	vst v10;
	v10 =	vadd.f32 $2.560000000e+02, v46  }
0xc9: {  	vm13 =	vlt.s32 v15, $0x1FF;
	v54 =	vmul.f32 $3.200000000e+01, v14;
	v48 =	vld.idx.msk [tilespmem:v12+s3+$0x0], $0xffff;
	v50 =	vadd.f32 $2.560000000e+02, v49;
	[tilespmem:s4+$0x8500] =	vst v9  }
0xca: {  	v15 =	vnsel vm13, $0x1FF, v15;
	v4 =	vadd.f32 v4, v45;
	v10 =	vtrunc.f32 v10;
	v51 =	vld.idx.msk [tilespmem:v16+s3+$0x0], $0xffff  }
0xcb: {  	v55 =	vadd.f32 $2.560000000e+02, v54;
	v12 =	vld.idx.msk [tilespmem:v12+s10+$0x0], $0xffff;
	v10 =	vcvt.f32.s32 v10;
	v9 =	vtrunc.f32 v50  }
0xcc: {  	v57 =	vmax.f32 v44, $-8.000000000e+00;
	v16 =	vld.idx.msk [tilespmem:v16+s10+$0x0], $0xffff;
	v9 =	vcvt.f32.s32 v9  }
0xcd: {  	v58 =	vmin.f32 v57, $8.000000000e+00;
	[tilespmem:s29+$0x8580] =	vst v4;
	v4 =	vtrunc.f32 v55;
	vm14 =	vlt.s32 v10, $0x1FF  }
0xce: {  	v52 =	vmul.f32 v18, v48;
	v10 =	vnsel vm14, $0x1FF, v10;
	vm15 =	vlt.s32 v9, $0x1FF  }
0xcf: {  	v56 =	vld.idx.msk [tilespmem:v15+s3+$0x0], $0xffff;
	v18 =	vmax.f32 v53, $-8.000000000e+00;
	v9 =	vnsel vm15, $0x1FF, v9;
	v20 =	vmul.f32 v21, v51  }
0xd0: {  	v42 =	vld [tilespmem:s30+$0x700];
	v59 =	vmin.f32 v18, $8.000000000e+00;
	v12 =	vadd.f32 v52, v12;
	v22 =	vmul.f32 $3.200000000e+01, v58  }
0xd1: {  	v15 =	vld.idx.msk [tilespmem:v15+s10+$0x0], $0xffff;
	v4 =	vcvt.f32.s32 v4;
	v61 =	vmul.f32 $3.200000000e+01, v59;
	v16 =	vadd.f32 v20, v16  }
0xd2: {  	v6 =	vmin.f32 v6, $8.000000000e+00;
	v26 =	vld [tilespmem:s4+$0x700];
	[tilespmem:s30+$0x8580] =	vst v12;
	v22 =	vadd.f32 $2.560000000e+02, v22  }
0xd3: {  	v24 =	vmul.f32 $3.200000000e+01, v6;
	vm4 =	vlt.s32 v4, $0x1FF;
	v63 =	vadd.f32 $2.560000000e+02, v61;
	v60 =	vld.idx.msk [tilespmem:v10+s3+$0x0], $0xffff;
	[tilespmem:s4+$0x8580] =	vst v16  }
0xd4: {  	v4 =	vnsel vm4, $0x1FF, v4;
	v3 =	vmul.f32 v3, v56;
	v22 =	vtrunc.f32 v22;
	v62 =	vld.idx.msk [tilespmem:v9+s3+$0x0], $0xffff  }
0xd5: {  	v10 =	vld.idx.msk [tilespmem:v10+s10+$0x0], $0xffff;
	v22 =	vcvt.f32.s32 v22;
	v16 =	vtrunc.f32 v63  }
0xd6: {  	v3 =	vadd.f32 v3, v15;
	v29 =	vmax.f32 v42, $-8.000000000e+00;
	v9 =	vld.idx.msk [tilespmem:v9+s10+$0x0], $0xffff;
	v16 =	vcvt.f32.s32 v16  }
0xd7: {  	v28 =	vadd.f32 $2.560000000e+02, v24;
	v18 =	vmin.f32 v29, $8.000000000e+00;
	vm5 =	vlt.s32 v22, $0x1FF  }
0xd8: {  	[tilespmem:s29+$0x8600] =	vst v3;
	v27 =	vmul.f32 v43, v60;
	v30 =	vnsel vm5, $0x1FF, v22;
	vm6 =	vlt.s32 v16, $0x1FF  }
0xd9: {  	v31 =	vld.idx.msk [tilespmem:v4+s3+$0x0], $0xffff;
	v32 =	vmax.f32 v26, $-8.000000000e+00;
	v16 =	vnsel vm6, $0x1FF, v16;
	v13 =	vmul.f32 v19, v62  }
0xda: {  	v33 =	vmul.f32 $3.200000000e+01, v18;
	v10 =	vadd.f32 v27, v10;
	v20 =	vmin.f32 v32, $8.000000000e+00  }
0xdb: {  	vm7 =	vlt.s32 v11, $0x1FF;
	v34 =	vmul.f32 $3.200000000e+01, v20;
	v9 =	vadd.f32 v13, v9  }
0xdc: {  	v2 =	vmul.f32 v2, v8;
	v4 =	vld.idx.msk [tilespmem:v4+s10+$0x0], $0xffff;
	v35 =	vtrunc.f32 v28;
	v36 =	vadd.f32 $2.560000000e+02, v33;
	[tilespmem:s30+$0x8600] =	vst v10  }
0xdd: {  	v11 =	vnsel vm7, $0x1FF, v11;
	v8 =	vcvt.f32.s32 v35;
	v37 =	vld.idx.msk [tilespmem:v30+s3+$0x0], $0xffff;
	v38 =	vadd.f32 $2.560000000e+02, v34;
	[tilespmem:s4+$0x8600] =	vst v9  }
0xde: {  	v2 =	vadd.f32 v2, v7;
	v39 =	vmul.f32 v14, v31;
	v10 =	vtrunc.f32 v36;
	v40 =	vld.idx.msk [tilespmem:v16+s3+$0x0], $0xffff  }
0xdf: {  	vm8 =	vlt.s32 v8, $0x1FF;
	v10 =	vcvt.f32.s32 v10;
	v3 =	vld.idx.msk [tilespmem:v30+s10+$0x0], $0xffff;
	v9 =	vtrunc.f32 v38  }
0xe0: {  	v8 =	vnsel vm8, $0x1FF, v8;
	v41 =	vld.idx.msk [tilespmem:v16+s10+$0x0], $0xffff;
	v9 =	vcvt.f32.s32 v9  }
0xe1: {  	[tilespmem:s26+$0x8680] =	vst v2;
	v42 =	vadd.f32 v39, v4;
	vm9 =	vlt.s32 v10, $0x1FF  }
0xe2: {  	v43 =	vld.idx.msk [tilespmem:v11+s3+$0x0], $0xffff;
	v10 =	vnsel vm9, $0x1FF, v10;
	v44 =	vmul.f32 v58, v37;
	vm10 =	vlt.s32 v9, $0x1FF  }
0xe3: {  	v9 =	vnsel vm10, $0x1FF, v9;
	v12 =	vmul.f32 v59, v40  }
0xe4: {  	[tilespmem:s29+$0x8680] =	vst v42;
	v11 =	vld.idx.msk [tilespmem:v11+s10+$0x0], $0xffff;
	v45 =	vadd.f32 v44, v3  }
0xe5: {  	v46 =	vld.idx.msk [tilespmem:v8+s3+$0x0], $0xffff;
	v47 =	vadd.f32 v12, v41  }
0xe6: {  	v8 =	vld.idx.msk [tilespmem:v8+s10+$0x0], $0xffff;
	[tilespmem:s30+$0x8680] =	vst v45  }
0xe7: {  	s6 =	sadd.s32 $0x1, s24;
	v1 =	vmul.f32 v1, v43;
	v2 =	vld.idx.msk [tilespmem:v10+s3+$0x0], $0xffff;
	[tilespmem:s4+$0x8680] =	vst v47  }
0xe8: {  	s24 =	sand.u32 $0x7, s6;
	v48 =	vld.idx.msk [tilespmem:v9+s3+$0x0], $0xffff  }
0xe9: {  	s7 =	sshll.u32 s24, $0x4;
	v1 =	vadd.f32 v1, v11;
	v49 =	vld.idx.msk [tilespmem:v10+s10+$0x0], $0xffff  }
0xea: {  	s24 =	sadd.s32 $0x1, s6;
	s7 =	sadd.s32 s7, s25;
	v3 =	vmul.f32 v6, v46;
	v50 =	vld.idx.msk [tilespmem:v9+s10+$0x0], $0xffff  }
0xeb: {  	s6 =	sor.u32 $0x380, s7;
	[tilespmem:s26+$0x8700] =	vst v1;
	s26 =	sand.u32 $0x7, s24  }
0xec: {  	s24 =	sadd.s32 $0x1, s24;
	v1 =	vld [tilespmem:s6+$0x400];
	s7 =	sshll.u32 s26, $0x4;
	v3 =	vadd.f32 v3, v8;
	v2 =	vmul.f32 v18, v2  }
0xed: {  	s26 =	sadd.s32 $0x1, s24;
	s7 =	sadd.s32 s7, s28;
	s28 =	sand.u32 $0x7, s24;
	v4 =	vmul.f32 v20, v48  }
0xee: {  	s24 =	sor.u32 $0x380, s7;
	s28 =	sshll.u32 s28, $0x4;
	[tilespmem:s29+$0x8700] =	vst v3;
	s29 =	sand.u32 $0x7, s26;
	v2 =	vadd.f32 v2, v49  }
0xef: {  	s7 =	sadd.s32 s28, s31;
	v3 =	vld [tilespmem:s24+$0x400];
	s26 =	sshll.u32 s29, $0x4;
	v4 =	vadd.f32 v4, v50  }
0xf0: {  	s2 =	sadd.s32 s26, s2;
	[tilespmem:s30+$0x8700] =	vst v2;
	s30 =	sor.u32 $0x380, s7  }
0xf1: {  	v1 =	vmax.f32 v1, $-8.000000000e+00;
	s2 =	sor.u32 $0x380, s2;
	v2 =	vld [tilespmem:s30+$0x400];
	[tilespmem:s4+$0x8700] =	vst v4  }
0xf2: {  	v1 =	vmin.f32 v1, $8.000000000e+00;
	v4 =	vld [tilespmem:s2+$0x400]  }
0xf3: {  	v51 =	vmul.f32 $3.200000000e+01, v1  }
0xf4: {  	v3 =	vmax.f32 v3, $-8.000000000e+00  }
0xf5: {  	v5 =	vtrunc.f32 v5;
	v6 =	vadd.f32 $2.560000000e+02, v51;
	v3 =	vmin.f32 v3, $8.000000000e+00  }
0xf6: {  	v5 =	vcvt.f32.s32 v5;
	v52 =	vmul.f32 $3.200000000e+01, v3;
	v2 =	vmax.f32 v2, $-8.000000000e+00  }
0xf7: {  	v6 =	vtrunc.f32 v6;
	v2 =	vmin.f32 v2, $8.000000000e+00;
	v4 =	vmax.f32 v4, $-8.000000000e+00  }
0xf8: {  	v7 =	vadd.f32 $2.560000000e+02, v52;
	v53 =	vmul.f32 $3.200000000e+01, v2;
	v4 =	vmin.f32 v4, $8.000000000e+00  }
0xf9: {  	vm11 =	vlt.s32 v5, $0x1FF;
	v6 =	vcvt.f32.s32 v6;
	v54 =	vmul.f32 $3.200000000e+01, v4  }
0xfa: {  	v5 =	vnsel vm11, $0x1FF, v5;
	v7 =	vtrunc.f32 v7;
	v8 =	vadd.f32 $2.560000000e+02, v53  }
0xfb: {  	vm12 =	vlt.s32 v6, $0x1FF;
	v7 =	vcvt.f32.s32 v7;
	v9 =	vadd.f32 $2.560000000e+02, v54  }
0xfc: {  	v6 =	vnsel vm12, $0x1FF, v6;
	v8 =	vtrunc.f32 v8  }
0xfd: {  	vm13 =	vlt.s32 v7, $0x1FF;
	v8 =	vcvt.f32.s32 v8;
	v9 =	vtrunc.f32 v9  }
0xfe: {  	v7 =	vnsel vm13, $0x1FF, v7;
	v9 =	vcvt.f32.s32 v9  }
0xff: {  	v55 =	vld.idx.msk [tilespmem:v5+s3+$0x0], $0xffff;
	vm14 =	vlt.s32 v8, $0x1FF  }
0x100: {  	v5 =	vld.idx.msk [tilespmem:v5+s10+$0x0], $0xffff;
	v8 =	vnsel vm14, $0x1FF, v8;
	vm15 =	vlt.s32 v9, $0x1FF  }
0x101: {  	v56 =	vld.idx.msk [tilespmem:v6+s3+$0x0], $0xffff;
	v9 =	vnsel vm15, $0x1FF, v9  }
0x102: {  	v6 =	vld.idx.msk [tilespmem:v6+s10+$0x0], $0xffff  }
0x103: {  	v57 =	vld.idx.msk [tilespmem:v7+s3+$0x0], $0xffff  }
0x104: {  	v7 =	vld.idx.msk [tilespmem:v7+s10+$0x0], $0xffff  }
0x105: {  	v58 =	vld.idx.msk [tilespmem:v8+s3+$0x0], $0xffff  }
0x106: {  	v59 =	vld.idx.msk [tilespmem:v9+s3+$0x0], $0xffff  }
0x107: {  	v0 =	vmul.f32 v0, v55;
	v8 =	vld.idx.msk [tilespmem:v8+s10+$0x0], $0xffff  }
0x108: {  	v1 =	vmul.f32 v1, v56;
	v9 =	vld.idx.msk [tilespmem:v9+s10+$0x0], $0xffff  }
0x109: {  	v0 =	vadd.f32 v0, v5;
	v3 =	vmul.f32 v3, v57  }
0x10a: {  	v1 =	vadd.f32 v1, v6;
	v2 =	vmul.f32 v2, v58  }
0x10b: {  	p1 =	sne.s32 s21, $0xF;
	[tilespmem:s0+$0x8400] =	vst v0;
	v60 =	vadd.f32 v3, v7;
	v61 =	vmul.f32 v4, v59  }
.Ltmp1:
0x10c: {  	[tilespmem:s6+$0x8400] =	vst v1;
	v62 =	vadd.f32 v2, v8;
	(pc) =	sbr.rel @p1 .LBB2_6-.Ltmp1, $4  }
0x10d: {  	[tilespmem:s24+$0x8400] =	vst v60;
	v63 =	vadd.f32 v61, v9  }
0x10e: {  	[tilespmem:s30+$0x8400] =	vst v62  }
0x10f: {  	s22 =	sor.u32 $0x8, s22;
	s31 =	sadd.s32 s1, s23;
	[tilespmem:s2+$0x8400] =	vst v63  }
0x110: {  	[hbm4b:s31+s3] =	stream.linear.scatter [tilespmem:s15], [sflag:$0x4], $0x4000, $0x38;
	[tilespmem:$0x10400] =	vst v63  }
.Ltmp2:
0x111: {  	(pc) =	sbr.rel .LBB2_7-.Ltmp2, $4  }
0x112: {  	_ = 	snop  }
0x113: {  	_ =	swait.ge [sflag:s16], $0x4000  }
0x114: {  	[sflag:s16] =	ssyncset.done $0x0  }
0x115: {  	[sflag:s16] =	ssyncadd.s32 $0xFFFFC000  }
.LBB2_6:
0x116: {  	s0 =	sshll.u32 s22, $0x8  }
.Ltmp3:
0x117: {  	s0 =	sadd.s32 s0, s8;
	(pc) =	sbr.rel @p0 .LBB2_8-.Ltmp3, $4  }
0x118: {  	[tilespmem:s11], [sflag:$0x2] =	stream.linear.gather [hbm4b:s0+s3], $0x4000, $0x38;
	[tilespmem:$0x10400] =	vst v63  }
0x119: {  	_ =	swait.ge [sflag:s16], $0x4000  }
0x11a: {  	[sflag:s16] =	ssyncset.done $0x0  }
0x11b: {  	[sflag:s16] =	ssyncadd.s32 $0xFFFFC000  }
.LBB2_7:
0x11c: {  	_ =	swait.ge [sflag:s17], $0x4000  }
0x11d: {  	[sflag:s17] =	ssyncset.done $0x0  }
0x11e: {  	[sflag:s17] =	ssyncadd.s32 $0xFFFFC000  }
.LBB2_8:
0x11f: {  	s23 =	simm.s32 $0x0  }
0x120: {  	s0 =	sand.u32 $0x70, s23;
	s2 =	sand.u32 $0x3C00, s23  }
0x121: {  	s0 =	sor.u32 s0, s2  }
0x122: {  	v0 =	vld [tilespmem:s0+$0x4400];
	_ =	sdelay $0x4  }
0x123: {  	v0 =	vmax.f32 v0, $-8.000000000e+00  }
0x124: {  	v0 =	vmin.f32 v0, $8.000000000e+00  }
0x125: {  	v1 =	vmul.f32 $3.200000000e+01, v0;
	_ =	sdelay $0x1  }
0x126: {  	v1 =	vadd.f32 $2.560000000e+02, v1  }
0x127: {  	v2 =	vld [tilespmem:s0+$0x4480]  }
0x128: {  	v1 =	vtrunc.f32 v1  }
0x129: {  	v1 =	vcvt.f32.s32 v1;
	_ =	sdelay $0x1  }
0x12a: {  	vm0 =	vlt.s32 v1, $0x1FF  }
0x12b: {  	v2 =	vmax.f32 v2, $-8.000000000e+00;
	v1 =	vnsel vm0, $0x1FF, v1  }
0x12c: {  	v2 =	vmin.f32 v2, $8.000000000e+00  }
0x12d: {  	v3 =	vmul.f32 $3.200000000e+01, v2;
	_ =	sdelay $0x1  }
0x12e: {  	v4 =	vld [tilespmem:s0+$0x4500];
	v3 =	vadd.f32 $2.560000000e+02, v3  }
0x12f: {  	v5 =	vld.idx.msk [tilespmem:v1+s3+$0x0], $0xffff  }
0x130: {  	v3 =	vtrunc.f32 v3  }
0x131: {  	v3 =	vcvt.f32.s32 v3;
	v1 =	vld.idx.msk [tilespmem:v1+s10+$0x0], $0xffff  }
0x132: {  	s6 =	simm.s32 $0x10;
	s24 =	simm.s32 $0x80  }
0x133: {  	s4 =	sand.u32 $0x3C00, s24;
	s2 =	sand.u32 $0x70, s6;
	vm0 =	vlt.s32 v3, $0x1FF  }
0x134: {  	s25 =	sor.u32 s2, s4;
	v4 =	vmax.f32 v4, $-8.000000000e+00;
	v3 =	vnsel vm0, $0x1FF, v3;
	v0 =	vmul.f32 v0, v5  }
0x135: {  	v4 =	vmin.f32 v4, $8.000000000e+00;
	v5 =	vld [tilespmem:s25+$0x4400]  }
0x136: {  	v0 =	vadd.f32 v0, v1;
	v1 =	vmul.f32 $3.200000000e+01, v4;
	_ =	sdelay $0x1  }
0x137: {  	v6 =	vld [tilespmem:s0+$0x4580];
	[tilespmem:s0+$0xC400] =	vst v0;
	v0 =	vadd.f32 $2.560000000e+02, v1  }
0x138: {  	v1 =	vld.idx.msk [tilespmem:v3+s3+$0x0], $0xffff  }
0x139: {  	v5 =	vmax.f32 v5, $-8.000000000e+00;
	v0 =	vtrunc.f32 v0  }
0x13a: {  	v3 =	vld.idx.msk [tilespmem:v3+s10+$0x0], $0xffff;
	v5 =	vmin.f32 v5, $8.000000000e+00;
	v0 =	vcvt.f32.s32 v0  }
0x13b: {  	v7 =	vmul.f32 $3.200000000e+01, v5  }
0x13c: {  	v6 =	vmax.f32 v6, $-8.000000000e+00;
	vm0 =	vlt.s32 v0, $0x1FF  }
0x13d: {  	v7 =	vadd.f32 $2.560000000e+02, v7;
	v1 =	vmul.f32 v2, v1;
	v0 =	vnsel vm0, $0x1FF, v0  }
0x13e: {  	v6 =	vmin.f32 v6, $8.000000000e+00;
	v2 =	vld [tilespmem:s25+$0x4480]  }
0x13f: {  	v8 =	vmul.f32 $3.200000000e+01, v6;
	v7 =	vtrunc.f32 v7;
	v1 =	vadd.f32 v1, v3  }
0x140: {  	v3 =	vcvt.f32.s32 v7  }
0x141: {  	[tilespmem:s0+$0xC480] =	vst v1;
	v1 =	vadd.f32 $2.560000000e+02, v8  }
0x142: {  	vm0 =	vlt.s32 v3, $0x1FF;
	v7 =	vld.idx.msk [tilespmem:v0+s3+$0x0], $0xffff  }
0x143: {  	v8 =	vld [tilespmem:s0+$0x4600];
	v2 =	vmax.f32 v2, $-8.000000000e+00;
	v3 =	vnsel vm0, $0x1FF, v3;
	v1 =	vtrunc.f32 v1  }
0x144: {  	v0 =	vld.idx.msk [tilespmem:v0+s10+$0x0], $0xffff;
	v2 =	vmin.f32 v2, $8.000000000e+00;
	v1 =	vcvt.f32.s32 v1  }
0x145: {  	v9 =	vmul.f32 $3.200000000e+01, v2  }
0x146: {  	vm0 =	vlt.s32 v1, $0x1FF  }
0x147: {  	v10 =	vld [tilespmem:s25+$0x4500];
	v9 =	vadd.f32 $2.560000000e+02, v9;
	v4 =	vmul.f32 v4, v7;
	v1 =	vnsel vm0, $0x1FF, v1  }
0x148: {  	v7 =	vld.idx.msk [tilespmem:v3+s3+$0x0], $0xffff  }
0x149: {  	v8 =	vmax.f32 v8, $-8.000000000e+00;
	v9 =	vtrunc.f32 v9;
	v0 =	vadd.f32 v4, v0  }
0x14a: {  	s7 =	simm.s32 $0x20;
	s26 =	simm.s32 $0x100;
	v3 =	vld.idx.msk [tilespmem:v3+s10+$0x0], $0xffff;
	v4 =	vmin.f32 v8, $8.000000000e+00;
	v8 =	vcvt.f32.s32 v9  }
0x14b: {  	s31 =	sand.u32 $0x3C00, s26;
	v11 =	vld [tilespmem:s0+$0x4680];
	s2 =	sand.u32 $0x70, s7;
	v9 =	vmul.f32 $3.200000000e+01, v4;
	[tilespmem:s0+$0xC500] =	vst v0  }
0x14c: {  	s28 =	sor.u32 s2, s31;
	v0 =	vmax.f32 v10, $-8.000000000e+00;
	vm0 =	vlt.s32 v8, $0x1FF;
	v10 =	vld.idx.msk [tilespmem:v1+s3+$0x0], $0xffff  }
0x14d: {  	v9 =	vadd.f32 $2.560000000e+02, v9;
	v5 =	vmul.f32 v5, v7;
	v7 =	vnsel vm0, $0x1FF, v8;
	v8 =	vld [tilespmem:s28+$0x4400]  }
0x14e: {  	v0 =	vmin.f32 v0, $8.000000000e+00  }
0x14f: {  	v12 =	vld [tilespmem:s25+$0x4580];
	v3 =	vadd.f32 v5, v3;
	v5 =	vtrunc.f32 v9;
	v9 =	vmul.f32 $3.200000000e+01, v0  }
0x150: {  	v1 =	vld.idx.msk [tilespmem:v1+s10+$0x0], $0xffff;
	v5 =	vcvt.f32.s32 v5  }
0x151: {  	[tilespmem:s25+$0xC400] =	vst v3;
	v3 =	vmax.f32 v11, $-8.000000000e+00;
	v9 =	vadd.f32 $2.560000000e+02, v9  }
0x152: {  	v11 =	vld.idx.msk [tilespmem:v7+s3+$0x0], $0xffff;
	vm0 =	vlt.s32 v5, $0x1FF;
	v8 =	vmax.f32 v8, $-8.000000000e+00;
	v6 =	vmul.f32 v6, v10  }
0x153: {  	v5 =	vnsel vm0, $0x1FF, v5;
	v8 =	vmin.f32 v8, $8.000000000e+00;
	v9 =	vtrunc.f32 v9  }
0x154: {  	v7 =	vld.idx.msk [tilespmem:v7+s10+$0x0], $0xffff;
	v3 =	vmin.f32 v3, $8.000000000e+00;
	v10 =	vmul.f32 $3.200000000e+01, v8;
	v9 =	vcvt.f32.s32 v9  }
0x155: {  	v12 =	vmax.f32 v12, $-8.000000000e+00;
	v1 =	vadd.f32 v6, v1;
	v6 =	vmul.f32 $3.200000000e+01, v3  }
0x156: {  	v14 =	vld [tilespmem:s28+$0x4480];
	v12 =	vmin.f32 v12, $8.000000000e+00;
	v10 =	vadd.f32 $2.560000000e+02, v10;
	vm0 =	vlt.s32 v9, $0x1FF  }
0x157: {  	[tilespmem:s0+$0xC580] =	vst v1;
	v6 =	vadd.f32 $2.560000000e+02, v6;
	v1 =	vmul.f32 v2, v11;
	v2 =	vnsel vm0, $0x1FF, v9  }
0x158: {  	v9 =	vmul.f32 $3.200000000e+01, v12;
	v11 =	vld.idx.msk [tilespmem:v5+s3+$0x0], $0xffff;
	v10 =	vtrunc.f32 v10  }
0x159: {  	v15 =	vld [tilespmem:s0+$0x4700];
	v6 =	vtrunc.f32 v6;
	v10 =	vcvt.f32.s32 v10;
	v1 =	vadd.f32 v1, v7  }
0x15a: {  	v5 =	vld.idx.msk [tilespmem:v5+s10+$0x0], $0xffff;
	v6 =	vcvt.f32.s32 v6  }
0x15b: {  	v13 =	vld [tilespmem:s25+$0x4600];
	v7 =	vmax.f32 v14, $-8.000000000e+00;
	vm0 =	vlt.s32 v10, $0x1FF;
	[tilespmem:s25+$0xC480] =	vst v1;
	v1 =	vadd.f32 $2.560000000e+02, v9  }
0x15c: {  	v7 =	vmin.f32 v7, $8.000000000e+00;
	v9 =	vnsel vm0, $0x1FF, v10;
	v10 =	vld.idx.msk [tilespmem:v2+s3+$0x0], $0xffff  }
0x15d: {  	vm0 =	vlt.s32 v6, $0x1FF;
	v4 =	vmul.f32 v4, v11;
	v1 =	vtrunc.f32 v1  }
0x15e: {  	v2 =	vld.idx.msk [tilespmem:v2+s10+$0x0], $0xffff;
	v6 =	vnsel vm0, $0x1FF, v6;
	v11 =	vmax.f32 v15, $-8.000000000e+00;
	v1 =	vcvt.f32.s32 v1  }
0x15f: {  	v16 =	vld [tilespmem:s25+$0x4700];
	v15 =	vmul.f32 $3.200000000e+01, v7;
	v11 =	vmin.f32 v11, $8.000000000e+00;
	v4 =	vadd.f32 v4, v5  }
0x160: {  	v14 =	vld [tilespmem:s28+$0x4500];
	v5 =	vmax.f32 v13, $-8.000000000e+00;
	v13 =	vmul.f32 $3.200000000e+01, v11;
	vm0 =	vlt.s32 v1, $0x1FF  }
0x161: {  	v15 =	vadd.f32 $2.560000000e+02, v15;
	v17 =	vld.idx.msk [tilespmem:v9+s3+$0x0], $0xffff;
	v0 =	vmul.f32 v0, v10;
	v1 =	vnsel vm0, $0x1FF, v1  }
0x162: {  	v5 =	vmin.f32 v5, $8.000000000e+00;
	[tilespmem:s0+$0xC600] =	vst v4;
	v4 =	vadd.f32 $2.560000000e+02, v13;
	v9 =	vld.idx.msk [tilespmem:v9+s10+$0x0], $0xffff  }
0x163: {  	v13 =	vmul.f32 $3.200000000e+01, v5;
	v15 =	vtrunc.f32 v15;
	v10 =	vld.idx.msk [tilespmem:v6+s3+$0x0], $0xffff;
	v0 =	vadd.f32 v0, v2  }
0x164: {  	s30 =	simm.s32 $0x180;
	s4 =	simm.s32 $0x30;
	v6 =	vld.idx.msk [tilespmem:v6+s10+$0x0], $0xffff;
	v2 =	vtrunc.f32 v4;
	v4 =	vcvt.f32.s32 v15  }
0x165: {  	s6 =	sand.u32 $0x3C00, s30;
	s2 =	sand.u32 $0x70, s4;
	v15 =	vld [tilespmem:s25+$0x4680];
	v2 =	vcvt.f32.s32 v2;
	[tilespmem:s25+$0xC500] =	vst v0  }
0x166: {  	s29 =	sor.u32 s2, s6;
	v13 =	vadd.f32 $2.560000000e+02, v13;
	v0 =	vmax.f32 v14, $-8.000000000e+00;
	vm0 =	vlt.s32 v4, $0x1FF;
	v14 =	vld.idx.msk [tilespmem:v1+s3+$0x0], $0xffff  }
0x167: {  	v8 =	vmul.f32 v8, v17;
	v4 =	vnsel vm0, $0x1FF, v4;
	vm0 =	vlt.s32 v2, $0x1FF;
	v17 =	vld [tilespmem:s29+$0x4400]  }
0x168: {  	v0 =	vmin.f32 v0, $8.000000000e+00;
	v3 =	vmul.f32 v3, v10;
	v10 =	vnsel vm0, $0x1FF, v2  }
0x169: {  	v18 =	vld [tilespmem:s28+$0x4580];
	v2 =	vadd.f32 v8, v9;
	v8 =	vtrunc.f32 v13;
	v9 =	vmul.f32 $3.200000000e+01, v0  }
0x16a: {  	v1 =	vld.idx.msk [tilespmem:v1+s10+$0x0], $0xffff;
	v8 =	vcvt.f32.s32 v8;
	v3 =	vadd.f32 v3, v6  }
0x16b: {  	v13 =	vld [tilespmem:s28+$0x4600];
	v6 =	vmax.f32 v16, $-8.000000000e+00;
	[tilespmem:s28+$0xC400] =	vst v2;
	v2 =	vmax.f32 v15, $-8.000000000e+00;
	v15 =	vadd.f32 $2.560000000e+02, v9  }
0x16c: {  	v16 =	vld.idx.msk [tilespmem:v4+s3+$0x0], $0xffff;
	vm0 =	vlt.s32 v8, $0x1FF;
	[tilespmem:s0+$0xC680] =	vst v3;
	v3 =	vmax.f32 v17, $-8.000000000e+00;
	v12 =	vmul.f32 v12, v14  }
0x16d: {  	v8 =	vnsel vm0, $0x1FF, v8;
	v14 =	vld.idx.msk [tilespmem:v10+s3+$0x0], $0xffff;
	v9 =	vmin.f32 v3, $8.000000000e+00;
	v3 =	vtrunc.f32 v15  }
0x16e: {  	v2 =	vmin.f32 v2, $8.000000000e+00;
	v15 =	vld.idx.msk [tilespmem:v4+s10+$0x0], $0xffff;
	v17 =	vmul.f32 $3.200000000e+01, v9;
	v3 =	vcvt.f32.s32 v3  }
0x16f: {  	v4 =	vmax.f32 v18, $-8.000000000e+00;
	v10 =	vld.idx.msk [tilespmem:v10+s10+$0x0], $0xffff;
	v1 =	vadd.f32 v12, v1;
	v12 =	vmul.f32 $3.200000000e+01, v2  }
0x170: {  	v18 =	vld [tilespmem:s29+$0x4480];
	v4 =	vmin.f32 v4, $8.000000000e+00;
	v17 =	vadd.f32 $2.560000000e+02, v17;
	vm0 =	vlt.s32 v3, $0x1FF  }
0x171: {  	[tilespmem:s25+$0xC580] =	vst v1;
	v1 =	vmul.f32 v7, v16;
	v7 =	vnsel vm0, $0x1FF, v3;
	v3 =	vadd.f32 $2.560000000e+02, v12  }
0x172: {  	v12 =	vmax.f32 v13, $-8.000000000e+00;
	v13 =	vld.idx.msk [tilespmem:v8+s3+$0x0], $0xffff;
	v16 =	vtrunc.f32 v17;
	v11 =	vmul.f32 v11, v14  }
0x173: {  	s7 =	sand.u32 $0x7, s23;
	v14 =	vcvt.f32.s32 v16;
	v15 =	vadd.f32 v1, v15;
	v1 =	vtrunc.f32 v3  }
0x174: {  	s2 =	sshll.u32 s7, $0x4;
	v8 =	vld.idx.msk [tilespmem:v8+s10+$0x0], $0xffff;
	v3 =	vmul.f32 $3.200000000e+01, v4;
	v16 =	vcvt.f32.s32 v1;
	v10 =	vadd.f32 v11, v10  }
0x175: {  	s2 =	sadd.s32 $0x0, s2;
	v11 =	vmax.f32 v18, $-8.000000000e+00;
	v1 =	vmin.f32 v6, $8.000000000e+00;
	vm0 =	vlt.s32 v14, $0x1FF;
	[tilespmem:s28+$0xC480] =	vst v15  }
0x176: {  	v15 =	vadd.f32 $2.560000000e+02, v3;
	v3 =	vmin.f32 v12, $8.000000000e+00;
	v14 =	vnsel vm0, $0x1FF, v14;
	v17 =	vld.idx.msk [tilespmem:v7+s3+$0x0], $0xffff;
	[tilespmem:s0+$0xC700] =	vst v10;
	s0 =	sor.u32 $0x380, s2  }
0x177: {  	v12 =	vmin.f32 v11, $8.000000000e+00;
	vm0 =	vlt.s32 v16, $0x1FF;
	v5 =	vmul.f32 v5, v13;
	v18 =	vld [tilespmem:s0+$0x4400]  }
0x178: {  	v6 =	vld [tilespmem:s29+$0x4500];
	v10 =	vnsel vm0, $0x1FF, v16;
	v11 =	vtrunc.f32 v15;
	v15 =	vmul.f32 $3.200000000e+01, v12  }
0x179: {  	v7 =	vld.idx.msk [tilespmem:v7+s10+$0x0], $0xffff;
	v13 =	vmul.f32 $3.200000000e+01, v1;
	v11 =	vcvt.f32.s32 v11;
	v5 =	vadd.f32 v5, v8  }
0x17a: {  	v21 =	vld [tilespmem:s28+$0x4700];
	v20 =	vmul.f32 $3.200000000e+01, v3;
	v15 =	vadd.f32 $2.560000000e+02, v15  }
0x17b: {  	vm0 =	vlt.s32 v11, $0x1FF;
	v16 =	vld.idx.msk [tilespmem:v14+s3+$0x0], $0xffff;
	[tilespmem:s25+$0xC600] =	vst v5;
	v5 =	vadd.f32 $2.560000000e+02, v13;
	v22 =	vmul.f32 v0, v17  }
0x17c: {  	v13 =	vnsel vm0, $0x1FF, v11;
	v17 =	vld.idx.msk [tilespmem:v14+s10+$0x0], $0xffff;
	v11 =	vtrunc.f32 v15;
	v0 =	vmax.f32 v18, $-8.000000000e+00  }
0x17d: {  	v6 =	vmax.f32 v6, $-8.000000000e+00;
	v8 =	vld.idx.msk [tilespmem:v10+s3+$0x0], $0xffff;
	v19 =	vcvt.f32.s32 v11;
	v0 =	vmin.f32 v0, $8.000000000e+00  }
0x17e: {  	v14 =	vld [tilespmem:s28+$0x4680];
	v5 =	vtrunc.f32 v5;
	v15 =	vadd.f32 v22, v7;
	v63 =	vmul.f32 $3.200000000e+01, v0  }
0x17f: {  	s31 =	simm.s32 $0x40;
	s4 =	simm.s32 $0x50;
	s2 =	simm.s32 $0x200;
	v7 =	vld.idx.msk [tilespmem:v10+s10+$0x0], $0xffff;
	v10 =	vmin.f32 v6, $8.000000000e+00;
	v6 =	vmax.f32 v21, $-8.000000000e+00;
	v11 =	vcvt.f32.s32 v5  }
0x180: {  	s6 =	sand.u32 $0x70, s31;
	s7 =	sand.u32 $0x3C00, s2;
	v18 =	vld [tilespmem:s29+$0x4580];
	vm0 =	vlt.s32 v19, $0x1FF;
	[tilespmem:s28+$0xC500] =	vst v15;
	v15 =	vadd.f32 $2.560000000e+02, v20;
	v5 =	vadd.f32 $2.560000000e+02, v63  }
.LBB2_9:
0x181: {  	p0 =	sne.s32 s4, $0x7F0;
	s6 =	sor.u32 s6, s7;
	v9 =	vmul.f32 v9, v16;
	v16 =	vnsel vm0, $0x1FF, v19;
	v19 =	vld.idx.msk [tilespmem:v13+s3+$0x0], $0xffff;
	vm0 =	vlt.s32 v11, $0x1FF  }
0x182: {  	v2 =	vmul.f32 v2, v8;
	v20 =	vld [tilespmem:s6+$0x4400];
	v8 =	vnsel vm0, $0x1FF, v11;
	v5 =	vtrunc.f32 v5  }
0x183: {  	v9 =	vadd.f32 v9, v17;
	v11 =	vld.idx.msk [tilespmem:v13+s10+$0x0], $0xffff;
	v13 =	vtrunc.f32 v15;
	v5 =	vcvt.f32.s32 v5  }
0x184: {  	v15 =	vmul.f32 $3.200000000e+01, v10;
	v2 =	vadd.f32 v2, v7;
	v17 =	vld [tilespmem:s29+$0x4600];
	v13 =	vcvt.f32.s32 v13  }
0x185: {  	v14 =	vmax.f32 v14, $-8.000000000e+00;
	v7 =	vld [tilespmem:s6+$0x4480];
	[tilespmem:s29+$0xC400] =	vst v9;
	v18 =	vmax.f32 v18, $-8.000000000e+00;
	vm0 =	vlt.s32 v5, $0x1FF  }
0x186: {  	v15 =	vadd.f32 $2.560000000e+02, v15;
	v21 =	vld.idx.msk [tilespmem:v16+s3+$0x0], $0xffff;
	vm1 =	vlt.s32 v13, $0x1FF;
	[tilespmem:s25+$0xC680] =	vst v2;
	v5 =	vnsel vm0, $0x1FF, v5  }
0x187: {  	v4 =	vmul.f32 v4, v19;
	v2 =	vmax.f32 v20, $-8.000000000e+00;
	v13 =	vnsel vm1, $0x1FF, v13;
	v19 =	vld.idx.msk [tilespmem:v8+s3+$0x0], $0xffff  }
0x188: {  	v15 =	vtrunc.f32 v15;
	v9 =	vmin.f32 v2, $8.000000000e+00;
	v16 =	vld.idx.msk [tilespmem:v16+s10+$0x0], $0xffff;
	v2 =	vmin.f32 v14, $8.000000000e+00  }
0x189: {  	v15 =	vcvt.f32.s32 v15;
	v11 =	vadd.f32 v4, v11;
	v14 =	vmul.f32 $3.200000000e+01, v9;
	v8 =	vld.idx.msk [tilespmem:v8+s10+$0x0], $0xffff  }
0x18a: {  	v4 =	vmin.f32 v18, $8.000000000e+00;
	v17 =	vmax.f32 v17, $-8.000000000e+00;
	v18 =	vmul.f32 $3.200000000e+01, v2  }
0x18b: {  	v20 =	vmul.f32 $3.200000000e+01, v4;
	vm0 =	vlt.s32 v15, $0x1FF;
	v14 =	vadd.f32 $2.560000000e+02, v14;
	[tilespmem:s28+$0xC580] =	vst v11;
	v11 =	vld.idx.msk [tilespmem:v5+s3+$0x0], $0xffff  }
0x18c: {  	v12 =	vmul.f32 v12, v21;
	v15 =	vnsel vm0, $0x1FF, v15;
	v18 =	vadd.f32 $2.560000000e+02, v18;
	v21 =	vld.idx.msk [tilespmem:v13+s3+$0x0], $0xffff  }
0x18d: {  	s23 =	sadd.s32 $0x1, s23;
	v7 =	vmax.f32 v7, $-8.000000000e+00;
	v19 =	vmul.f32 v1, v19;
	v14 =	vtrunc.f32 v14;
	v5 =	vld.idx.msk [tilespmem:v5+s10+$0x0], $0xffff  }
0x18e: {  	s7 =	sand.u32 $0x7, s23;
	v12 =	vadd.f32 v12, v16;
	v1 =	vtrunc.f32 v18;
	v14 =	vcvt.f32.s32 v14;
	v13 =	vld.idx.msk [tilespmem:v13+s10+$0x0], $0xffff  }
0x18f: {  	s7 =	sshll.u32 s7, $0x4;
	v16 =	vcvt.f32.s32 v1;
	v1 =	vmin.f32 v6, $8.000000000e+00;
	v6 =	vadd.f32 v19, v8  }
0x190: {  	s7 =	sadd.s32 s7, s24;
	s24 =	smov.u32 s26;
	s26 =	smov.u32 s30;
	v17 =	vmin.f32 v17, $8.000000000e+00;
	v18 =	vadd.f32 $2.560000000e+02, v20;
	vm0 =	vlt.s32 v14, $0x1FF;
	v8 =	vld [tilespmem:s6+$0x4500];
	[tilespmem:s29+$0xC480] =	vst v12  }
0x191: {  	s7 =	sor.u32 $0x380, s7;
	v0 =	vmul.f32 v0, v11;
	v14 =	vnsel vm0, $0x1FF, v14;
	v19 =	vld.idx.msk [tilespmem:v15+s3+$0x0], $0xffff;
	vm0 =	vlt.s32 v16, $0x1FF;
	[tilespmem:s25+$0xC700] =	vst v6;
	s25 =	smov.u32 s28;
	s28 =	smov.u32 s29  }
0x192: {  	s30 =	smov.u32 s2;
	v12 =	vmin.f32 v7, $8.000000000e+00;
	v6 =	vmul.f32 v3, v21;
	v3 =	vmovc v17;
	s29 =	smov.u32 s6;
	v7 =	vnsel vm0, $0x1FF, v16;
	v11 =	vld [tilespmem:s7+$0x4400]  }
0x193: {  	v17 =	vmul.f32 $3.200000000e+01, v1;
	v16 =	vtrunc.f32 v18;
	v0 =	vadd.f32 v0, v5;
	v15 =	vld.idx.msk [tilespmem:v15+s10+$0x0], $0xffff  }
0x194: {  	v5 =	vmul.f32 $3.200000000e+01, v12;
	v18 =	vcvt.f32.s32 v16;
	v6 =	vadd.f32 v6, v13  }
0x195: {  	v21 =	vmul.f32 $3.200000000e+01, v3;
	v20 =	vmax.f32 v8, $-8.000000000e+00;
	v22 =	vld [tilespmem:s28+$0x4700];
	[tilespmem:s0+$0xC400] =	vst v0;
	s0 =	smov.u32 s7  }
0x196: {  	v0 =	vadd.f32 $2.560000000e+02, v5;
	vm0 =	vlt.s32 v18, $0x1FF;
	v5 =	vadd.f32 $2.560000000e+02, v17;
	v16 =	vld.idx.msk [tilespmem:v14+s3+$0x0], $0xffff;
	[tilespmem:s25+$0xC600] =	vst v6  }
.Ltmp4:
0x197: {  	v6 =	vmul.f32 v10, v19;
	v13 =	vnsel vm0, $0x1FF, v18;
	v8 =	vld.idx.msk [tilespmem:v7+s3+$0x0], $0xffff;
	v10 =	vmax.f32 v11, $-8.000000000e+00;
	(pc) =	sbr.rel @p0 .LBB2_9-.Ltmp4, $4  }
0x198: {  	v11 =	vtrunc.f32 v0;
	v5 =	vtrunc.f32 v5;
	v17 =	vld.idx.msk [tilespmem:v14+s10+$0x0], $0xffff;
	v0 =	vmin.f32 v10, $8.000000000e+00  }
0x199: {  	v19 =	vcvt.f32.s32 v11;
	v15 =	vadd.f32 v6, v15;
	v7 =	vld.idx.msk [tilespmem:v7+s10+$0x0], $0xffff;
	v23 =	vmul.f32 $3.200000000e+01, v0  }
0x19a: {  	s2 =	sadd.s32 $0x80, s2;
	v10 =	vmin.f32 v20, $8.000000000e+00;
	v11 =	vcvt.f32.s32 v5;
	v14 =	vld [tilespmem:s28+$0x4680];
	v6 =	vmax.f32 v22, $-8.000000000e+00  }
0x19b: {  	s6 =	sand.u32 $0x70, s4;
	s4 =	sadd.s32 $0x10, s4;
	s7 =	sand.u32 $0x3C00, s2;
	vm0 =	vlt.s32 v19, $0x1FF;
	v18 =	vld [tilespmem:s29+$0x4580];
	[tilespmem:s28+$0xC500] =	vst v15;
	v15 =	vadd.f32 $2.560000000e+02, v21;
	v5 =	vadd.f32 $2.560000000e+02, v23  }
0x19c: {  	s4 =	sor.u32 s6, s7  }
0x19d: {  	v20 =	vld [tilespmem:s4+$0x4400];
	_ =	sdelay $0x4  }
0x19e: {  	v20 =	vmax.f32 v20, $-8.000000000e+00  }
0x19f: {  	v20 =	vmin.f32 v20, $8.000000000e+00  }
0x1a0: {  	v21 =	vmul.f32 $3.200000000e+01, v20;
	_ =	sdelay $0x1  }
0x1a1: {  	v21 =	vadd.f32 $2.560000000e+02, v21  }
0x1a2: {  	v22 =	vld [tilespmem:s4+$0x4480]  }
0x1a3: {  	v21 =	vtrunc.f32 v21  }
0x1a4: {  	v21 =	vcvt.f32.s32 v21;
	_ =	sdelay $0x1  }
0x1a5: {  	vm1 =	vlt.s32 v21, $0x1FF  }
0x1a6: {  	v22 =	vmax.f32 v22, $-8.000000000e+00;
	v21 =	vnsel vm1, $0x1FF, v21  }
0x1a7: {  	v22 =	vmin.f32 v22, $8.000000000e+00  }
0x1a8: {  	v23 =	vmul.f32 $3.200000000e+01, v22;
	_ =	sdelay $0x1  }
0x1a9: {  	v24 =	vld [tilespmem:s4+$0x4500];
	v23 =	vadd.f32 $2.560000000e+02, v23  }
0x1aa: {  	v25 =	vld.idx.msk [tilespmem:v21+s3+$0x0], $0xffff  }
0x1ab: {  	v59 =	vtrunc.f32 v23  }
0x1ac: {  	v9 =	vmul.f32 v9, v16;
	v58 =	vnsel vm0, $0x1FF, v19;
	v19 =	vcvt.f32.s32 v59;
	v21 =	vld.idx.msk [tilespmem:v21+s10+$0x0], $0xffff;
	_ =	sdelay $0x1  }
0x1ad: {  	v9 =	vadd.f32 v9, v17;
	vm8 =	vlt.s32 v19, $0x1FF  }
0x1ae: {  	v62 =	vmax.f32 v24, $-8.000000000e+00;
	v19 =	vnsel vm8, $0x1FF, v19;
	v20 =	vmul.f32 v20, v25  }
0x1af: {  	v60 =	vmul.f32 $3.200000000e+01, v10;
	[tilespmem:s29+$0xC400] =	vst v9;
	v9 =	vmin.f32 v62, $8.000000000e+00  }
0x1b0: {  	v27 =	vmul.f32 $3.200000000e+01, v9;
	v20 =	vadd.f32 v20, v21  }
0x1b1: {  	v30 =	vld [tilespmem:s4+$0x4580];
	v17 =	vadd.f32 $2.560000000e+02, v60  }
0x1b2: {  	v63 =	vld.idx.msk [tilespmem:v58+s3+$0x0], $0xffff;
	v28 =	vadd.f32 $2.560000000e+02, v27;
	[tilespmem:s4+$0xC400] =	vst v20  }
0x1b3: {  	v17 =	vtrunc.f32 v17;
	v29 =	vld.idx.msk [tilespmem:v19+s3+$0x0], $0xffff  }
0x1b4: {  	v16 =	vld.idx.msk [tilespmem:v58+s10+$0x0], $0xffff;
	v17 =	vcvt.f32.s32 v17;
	v20 =	vtrunc.f32 v28  }
0x1b5: {  	v18 =	vmax.f32 v18, $-8.000000000e+00;
	v19 =	vld.idx.msk [tilespmem:v19+s10+$0x0], $0xffff;
	v20 =	vcvt.f32.s32 v20  }
0x1b6: {  	v18 =	vmin.f32 v18, $8.000000000e+00;
	vm9 =	vlt.s32 v17, $0x1FF  }
0x1b7: {  	v17 =	vnsel vm9, $0x1FF, v17;
	v12 =	vmul.f32 v12, v63;
	vm10 =	vlt.s32 v20, $0x1FF  }
0x1b8: {  	v34 =	vmax.f32 v30, $-8.000000000e+00;
	v20 =	vnsel vm10, $0x1FF, v20;
	v32 =	vmul.f32 v22, v29  }
0x1b9: {  	v31 =	vmul.f32 $3.200000000e+01, v18;
	v12 =	vadd.f32 v12, v16;
	v21 =	vmin.f32 v34, $8.000000000e+00  }
0x1ba: {  	v61 =	vld [tilespmem:s29+$0x4600];
	v36 =	vmul.f32 $3.200000000e+01, v21;
	v16 =	vadd.f32 v32, v19  }
0x1bb: {  	v39 =	vld [tilespmem:s4+$0x4600];
	v33 =	vadd.f32 $2.560000000e+02, v31;
	[tilespmem:s29+$0xC480] =	vst v12  }
0x1bc: {  	v35 =	vld.idx.msk [tilespmem:v17+s3+$0x0], $0xffff;
	v37 =	vadd.f32 $2.560000000e+02, v36;
	[tilespmem:s4+$0xC480] =	vst v16  }
0x1bd: {  	v15 =	vtrunc.f32 v15;
	v12 =	vtrunc.f32 v33;
	v38 =	vld.idx.msk [tilespmem:v20+s3+$0x0], $0xffff  }
0x1be: {  	v17 =	vld.idx.msk [tilespmem:v17+s10+$0x0], $0xffff;
	v12 =	vcvt.f32.s32 v12;
	v16 =	vtrunc.f32 v37  }
0x1bf: {  	v15 =	vcvt.f32.s32 v15;
	v20 =	vld.idx.msk [tilespmem:v20+s10+$0x0], $0xffff;
	v16 =	vcvt.f32.s32 v16  }
0x1c0: {  	v41 =	vld.idx.msk [tilespmem:v13+s3+$0x0], $0xffff;
	v47 =	vmax.f32 v39, $-8.000000000e+00;
	v23 =	vmax.f32 v61, $-8.000000000e+00;
	vm11 =	vlt.s32 v12, $0x1FF  }
0x1c1: {  	v12 =	vnsel vm11, $0x1FF, v12;
	v40 =	vmul.f32 v10, v35;
	vm12 =	vlt.s32 v16, $0x1FF  }
0x1c2: {  	v45 =	vld.idx.msk [tilespmem:v13+s10+$0x0], $0xffff;
	v43 =	vmin.f32 v23, $8.000000000e+00;
	v16 =	vnsel vm12, $0x1FF, v16;
	v9 =	vmul.f32 v9, v38  }
0x1c3: {  	v46 =	vmul.f32 $3.200000000e+01, v43;
	v10 =	vadd.f32 v40, v17;
	v19 =	vmin.f32 v47, $8.000000000e+00  }
0x1c4: {  	v44 =	vld [tilespmem:s29+$0x4680];
	v14 =	vmax.f32 v14, $-8.000000000e+00;
	v49 =	vmul.f32 $3.200000000e+01, v19;
	v9 =	vadd.f32 v9, v20  }
0x1c5: {  	v53 =	vld [tilespmem:s4+$0x4680];
	v14 =	vmin.f32 v14, $8.000000000e+00;
	v4 =	vmul.f32 v4, v41;
	[tilespmem:s29+$0xC500] =	vst v10;
	v10 =	vadd.f32 $2.560000000e+02, v46  }
0x1c6: {  	vm13 =	vlt.s32 v15, $0x1FF;
	v54 =	vmul.f32 $3.200000000e+01, v14;
	v48 =	vld.idx.msk [tilespmem:v12+s3+$0x0], $0xffff;
	v50 =	vadd.f32 $2.560000000e+02, v49;
	[tilespmem:s4+$0xC500] =	vst v9  }
0x1c7: {  	v15 =	vnsel vm13, $0x1FF, v15;
	v4 =	vadd.f32 v4, v45;
	v10 =	vtrunc.f32 v10;
	v51 =	vld.idx.msk [tilespmem:v16+s3+$0x0], $0xffff  }
0x1c8: {  	v55 =	vadd.f32 $2.560000000e+02, v54;
	v12 =	vld.idx.msk [tilespmem:v12+s10+$0x0], $0xffff;
	v10 =	vcvt.f32.s32 v10;
	v9 =	vtrunc.f32 v50  }
0x1c9: {  	v57 =	vmax.f32 v44, $-8.000000000e+00;
	v16 =	vld.idx.msk [tilespmem:v16+s10+$0x0], $0xffff;
	v9 =	vcvt.f32.s32 v9  }
0x1ca: {  	v58 =	vmin.f32 v57, $8.000000000e+00;
	[tilespmem:s28+$0xC580] =	vst v4;
	v4 =	vtrunc.f32 v55;
	vm14 =	vlt.s32 v10, $0x1FF  }
0x1cb: {  	v52 =	vmul.f32 v18, v48;
	v10 =	vnsel vm14, $0x1FF, v10;
	vm15 =	vlt.s32 v9, $0x1FF  }
0x1cc: {  	v56 =	vld.idx.msk [tilespmem:v15+s3+$0x0], $0xffff;
	v18 =	vmax.f32 v53, $-8.000000000e+00;
	v9 =	vnsel vm15, $0x1FF, v9;
	v20 =	vmul.f32 v21, v51  }
0x1cd: {  	v42 =	vld [tilespmem:s29+$0x4700];
	v59 =	vmin.f32 v18, $8.000000000e+00;
	v12 =	vadd.f32 v52, v12;
	v22 =	vmul.f32 $3.200000000e+01, v58  }
0x1ce: {  	v15 =	vld.idx.msk [tilespmem:v15+s10+$0x0], $0xffff;
	v4 =	vcvt.f32.s32 v4;
	v61 =	vmul.f32 $3.200000000e+01, v59;
	v16 =	vadd.f32 v20, v16  }
0x1cf: {  	v6 =	vmin.f32 v6, $8.000000000e+00;
	v26 =	vld [tilespmem:s4+$0x4700];
	[tilespmem:s29+$0xC580] =	vst v12;
	v22 =	vadd.f32 $2.560000000e+02, v22  }
0x1d0: {  	v24 =	vmul.f32 $3.200000000e+01, v6;
	vm4 =	vlt.s32 v4, $0x1FF;
	v63 =	vadd.f32 $2.560000000e+02, v61;
	v60 =	vld.idx.msk [tilespmem:v10+s3+$0x0], $0xffff;
	[tilespmem:s4+$0xC580] =	vst v16  }
0x1d1: {  	v4 =	vnsel vm4, $0x1FF, v4;
	v3 =	vmul.f32 v3, v56;
	v22 =	vtrunc.f32 v22;
	v62 =	vld.idx.msk [tilespmem:v9+s3+$0x0], $0xffff  }
0x1d2: {  	v10 =	vld.idx.msk [tilespmem:v10+s10+$0x0], $0xffff;
	v22 =	vcvt.f32.s32 v22;
	v16 =	vtrunc.f32 v63  }
0x1d3: {  	v3 =	vadd.f32 v3, v15;
	v29 =	vmax.f32 v42, $-8.000000000e+00;
	v9 =	vld.idx.msk [tilespmem:v9+s10+$0x0], $0xffff;
	v16 =	vcvt.f32.s32 v16  }
0x1d4: {  	v28 =	vadd.f32 $2.560000000e+02, v24;
	v18 =	vmin.f32 v29, $8.000000000e+00;
	vm5 =	vlt.s32 v22, $0x1FF  }
0x1d5: {  	[tilespmem:s28+$0xC600] =	vst v3;
	v27 =	vmul.f32 v43, v60;
	v30 =	vnsel vm5, $0x1FF, v22;
	vm6 =	vlt.s32 v16, $0x1FF  }
0x1d6: {  	v31 =	vld.idx.msk [tilespmem:v4+s3+$0x0], $0xffff;
	v32 =	vmax.f32 v26, $-8.000000000e+00;
	v16 =	vnsel vm6, $0x1FF, v16;
	v13 =	vmul.f32 v19, v62  }
0x1d7: {  	v33 =	vmul.f32 $3.200000000e+01, v18;
	v10 =	vadd.f32 v27, v10;
	v20 =	vmin.f32 v32, $8.000000000e+00  }
0x1d8: {  	vm7 =	vlt.s32 v11, $0x1FF;
	v34 =	vmul.f32 $3.200000000e+01, v20;
	v9 =	vadd.f32 v13, v9  }
0x1d9: {  	v2 =	vmul.f32 v2, v8;
	v4 =	vld.idx.msk [tilespmem:v4+s10+$0x0], $0xffff;
	v35 =	vtrunc.f32 v28;
	v36 =	vadd.f32 $2.560000000e+02, v33;
	[tilespmem:s29+$0xC600] =	vst v10  }
0x1da: {  	v11 =	vnsel vm7, $0x1FF, v11;
	v8 =	vcvt.f32.s32 v35;
	v37 =	vld.idx.msk [tilespmem:v30+s3+$0x0], $0xffff;
	v38 =	vadd.f32 $2.560000000e+02, v34;
	[tilespmem:s4+$0xC600] =	vst v9  }
0x1db: {  	v2 =	vadd.f32 v2, v7;
	v39 =	vmul.f32 v14, v31;
	v10 =	vtrunc.f32 v36;
	v40 =	vld.idx.msk [tilespmem:v16+s3+$0x0], $0xffff  }
0x1dc: {  	vm8 =	vlt.s32 v8, $0x1FF;
	v10 =	vcvt.f32.s32 v10;
	v3 =	vld.idx.msk [tilespmem:v30+s10+$0x0], $0xffff;
	v9 =	vtrunc.f32 v38  }
0x1dd: {  	v8 =	vnsel vm8, $0x1FF, v8;
	v41 =	vld.idx.msk [tilespmem:v16+s10+$0x0], $0xffff;
	v9 =	vcvt.f32.s32 v9  }
0x1de: {  	[tilespmem:s25+$0xC680] =	vst v2;
	v42 =	vadd.f32 v39, v4;
	vm9 =	vlt.s32 v10, $0x1FF  }
0x1df: {  	v43 =	vld.idx.msk [tilespmem:v11+s3+$0x0], $0xffff;
	v10 =	vnsel vm9, $0x1FF, v10;
	v44 =	vmul.f32 v58, v37;
	vm10 =	vlt.s32 v9, $0x1FF  }
0x1e0: {  	v9 =	vnsel vm10, $0x1FF, v9;
	v12 =	vmul.f32 v59, v40  }
0x1e1: {  	[tilespmem:s28+$0xC680] =	vst v42;
	v11 =	vld.idx.msk [tilespmem:v11+s10+$0x0], $0xffff;
	v45 =	vadd.f32 v44, v3  }
0x1e2: {  	v46 =	vld.idx.msk [tilespmem:v8+s3+$0x0], $0xffff;
	v47 =	vadd.f32 v12, v41  }
0x1e3: {  	v8 =	vld.idx.msk [tilespmem:v8+s10+$0x0], $0xffff;
	[tilespmem:s29+$0xC680] =	vst v45  }
0x1e4: {  	s31 =	sadd.s32 $0x1, s23;
	v1 =	vmul.f32 v1, v43;
	v2 =	vld.idx.msk [tilespmem:v10+s3+$0x0], $0xffff;
	[tilespmem:s4+$0xC680] =	vst v47  }
0x1e5: {  	s23 =	sand.u32 $0x7, s31;
	v48 =	vld.idx.msk [tilespmem:v9+s3+$0x0], $0xffff  }
0x1e6: {  	s7 =	sshll.u32 s23, $0x4;
	v1 =	vadd.f32 v1, v11;
	v49 =	vld.idx.msk [tilespmem:v10+s10+$0x0], $0xffff  }
0x1e7: {  	s23 =	sadd.s32 $0x1, s31;
	s7 =	sadd.s32 s7, s24;
	v3 =	vmul.f32 v6, v46;
	v50 =	vld.idx.msk [tilespmem:v9+s10+$0x0], $0xffff  }
0x1e8: {  	s6 =	sor.u32 $0x380, s7;
	[tilespmem:s25+$0xC700] =	vst v1;
	s25 =	sand.u32 $0x7, s23  }
0x1e9: {  	s23 =	sadd.s32 $0x1, s23;
	v1 =	vld [tilespmem:s6+$0x4400];
	s7 =	sshll.u32 s25, $0x4;
	v3 =	vadd.f32 v3, v8;
	v2 =	vmul.f32 v18, v2  }
0x1ea: {  	s7 =	sadd.s32 s7, s26;
	s26 =	sand.u32 $0x7, s23;
	s23 =	sadd.s32 $0x1, s23;
	v4 =	vmul.f32 v20, v48  }
0x1eb: {  	s31 =	sor.u32 $0x380, s7;
	s26 =	sshll.u32 s26, $0x4;
	[tilespmem:s28+$0xC700] =	vst v3;
	s28 =	sand.u32 $0x7, s23;
	v2 =	vadd.f32 v2, v49  }
0x1ec: {  	s7 =	sadd.s32 s26, s30;
	v3 =	vld [tilespmem:s31+$0x4400];
	s25 =	sshll.u32 s28, $0x4;
	v4 =	vadd.f32 v4, v50  }
0x1ed: {  	s30 =	sor.u32 $0x380, s7;
	s2 =	sadd.s32 s25, s2;
	[tilespmem:s29+$0xC700] =	vst v2  }
0x1ee: {  	v1 =	vmax.f32 v1, $-8.000000000e+00;
	s2 =	sor.u32 $0x380, s2;
	v2 =	vld [tilespmem:s30+$0x4400];
	[tilespmem:s4+$0xC700] =	vst v4  }
0x1ef: {  	v1 =	vmin.f32 v1, $8.000000000e+00;
	v4 =	vld [tilespmem:s2+$0x4400]  }
0x1f0: {  	v51 =	vmul.f32 $3.200000000e+01, v1  }
0x1f1: {  	v3 =	vmax.f32 v3, $-8.000000000e+00  }
0x1f2: {  	v5 =	vtrunc.f32 v5;
	v6 =	vadd.f32 $2.560000000e+02, v51;
	v3 =	vmin.f32 v3, $8.000000000e+00  }
0x1f3: {  	v5 =	vcvt.f32.s32 v5;
	v52 =	vmul.f32 $3.200000000e+01, v3;
	v2 =	vmax.f32 v2, $-8.000000000e+00  }
0x1f4: {  	v6 =	vtrunc.f32 v6;
	v2 =	vmin.f32 v2, $8.000000000e+00;
	v4 =	vmax.f32 v4, $-8.000000000e+00  }
0x1f5: {  	v7 =	vadd.f32 $2.560000000e+02, v52;
	v53 =	vmul.f32 $3.200000000e+01, v2;
	v4 =	vmin.f32 v4, $8.000000000e+00  }
0x1f6: {  	vm11 =	vlt.s32 v5, $0x1FF;
	v6 =	vcvt.f32.s32 v6;
	v54 =	vmul.f32 $3.200000000e+01, v4  }
0x1f7: {  	v5 =	vnsel vm11, $0x1FF, v5;
	v7 =	vtrunc.f32 v7;
	v8 =	vadd.f32 $2.560000000e+02, v53  }
0x1f8: {  	vm12 =	vlt.s32 v6, $0x1FF;
	v7 =	vcvt.f32.s32 v7;
	v9 =	vadd.f32 $2.560000000e+02, v54  }
0x1f9: {  	v6 =	vnsel vm12, $0x1FF, v6;
	v8 =	vtrunc.f32 v8  }
0x1fa: {  	vm13 =	vlt.s32 v7, $0x1FF;
	v8 =	vcvt.f32.s32 v8;
	v9 =	vtrunc.f32 v9  }
0x1fb: {  	v7 =	vnsel vm13, $0x1FF, v7;
	v9 =	vcvt.f32.s32 v9  }
0x1fc: {  	v55 =	vld.idx.msk [tilespmem:v5+s3+$0x0], $0xffff;
	vm14 =	vlt.s32 v8, $0x1FF  }
0x1fd: {  	v5 =	vld.idx.msk [tilespmem:v5+s10+$0x0], $0xffff;
	v8 =	vnsel vm14, $0x1FF, v8;
	vm15 =	vlt.s32 v9, $0x1FF  }
0x1fe: {  	v56 =	vld.idx.msk [tilespmem:v6+s3+$0x0], $0xffff;
	v9 =	vnsel vm15, $0x1FF, v9  }
0x1ff: {  	v6 =	vld.idx.msk [tilespmem:v6+s10+$0x0], $0xffff  }
0x200: {  	v57 =	vld.idx.msk [tilespmem:v7+s3+$0x0], $0xffff  }
0x201: {  	v7 =	vld.idx.msk [tilespmem:v7+s10+$0x0], $0xffff  }
0x202: {  	v58 =	vld.idx.msk [tilespmem:v8+s3+$0x0], $0xffff  }
0x203: {  	v59 =	vld.idx.msk [tilespmem:v9+s3+$0x0], $0xffff  }
0x204: {  	v0 =	vmul.f32 v0, v55;
	v8 =	vld.idx.msk [tilespmem:v8+s10+$0x0], $0xffff  }
0x205: {  	v1 =	vmul.f32 v1, v56;
	v9 =	vld.idx.msk [tilespmem:v9+s10+$0x0], $0xffff  }
0x206: {  	v0 =	vadd.f32 v0, v5;
	v3 =	vmul.f32 v3, v57  }
0x207: {  	s21 =	sadd.s32 $0x1, s21;
	v1 =	vadd.f32 v1, v6;
	v2 =	vmul.f32 v2, v58  }
0x208: {  	p0 =	sne.s32 s21, $0x10;
	[tilespmem:s0+$0xC400] =	vst v0;
	v60 =	vadd.f32 v3, v7;
	v61 =	vmul.f32 v4, v59  }
.Ltmp5:
0x209: {  	[tilespmem:s6+$0xC400] =	vst v1;
	v62 =	vadd.f32 v2, v8;
	(pc) =	sbr.rel @p0 .LBB2_2-.Ltmp5, $4  }
0x20a: {  	[tilespmem:s31+$0xC400] =	vst v60;
	v63 =	vadd.f32 v61, v9  }
0x20b: {  	s31 =	sshll.u32 s22, $0x8;
	[tilespmem:s30+$0xC400] =	vst v62  }
0x20c: {  	s0 =	sadd.s32 s1, s31;
	[tilespmem:s2+$0xC400] =	vst v63  }
0x20d: {  	[hbm4b:s0+s3] =	stream.linear.scatter [tilespmem:s18], [sflag:$0x5], $0x4000, $0x38;
	[tilespmem:$0x10400] =	vst v63  }
0x20e: {  	s20 =	sadd.s32 $0x1, s20  }
0x20f: {  	_ =	swait.ge [sflag:s19], $0x4000;
	p0 =	sne.s32 s20, s9  }
.Ltmp6:
0x210: {  	[sflag:s19] =	ssyncset.done $0x0;
	(pc) =	sbr.rel @p0 .LBB2_1-.Ltmp6, $4  }
0x211: {  	[sflag:s19] =	ssyncadd.s32 $0xFFFFC000  }
0x212: {  	_ =	swait.ge [sflag:s17], $0x4000  }
0x213: {  	[sflag:s17] =	ssyncset.done $0x0  }
0x214: {  	[sflag:s17] =	ssyncadd.s32 $0xFFFFC000  }
0x215: {  	_ =	sfence.sel $0x180000  }
0x216: {  	[bflag:$0x0] =	sbarrier.arrive $0xFFFF  }
0x217: {  	_ =	strace $0x90000047  }
0x218: {  	s0 =	stileid.u32;
	[bflag:$0x2] =	sbarrier.arrive $0xFFFF  }
0x219: {  	p0 =	sne.s32 s0, $0x0;
	s0 =	rddreg [dreg:$0x3]  }
0x21a: {  	s0 =	sadd.s32 @!p0 $0x100000, s0  }
0x21b: {  	[sflag:s0] =	ssyncadd.tile.s32 @!p0 $0x1;
	_ =	shalt  }
.Lfunc_end2:
_tile_overlayer_lowered:
.L_overlay_start_2:
0x21c: {  	(tag) =	ssettag $0x2  }
0x21d: {  	s0 =	rddreg [dreg:$0x0];
	s2 =	stileid.u32  }
0x21e: {  	s1 =	rddreg [dreg:$0x1];
	p0 =	sne.s32 s2, $0x0  }
0x21f: {  	s3 =	rddreg [dreg:$0x2];
	[bflag:$0x3] =	sbarrier.arrive $0xFFFF;
	s2 =	simm.s32 @!p0 $0x1C06  }
0x220: {  	[timem:s3], [sflag:s2] =	dma.local @!p0 [hbm:s0], s1  }
0x221: {  	s0 =	simm.s32 @!p0 $0x6  }
0x222: {  	_ =	swait.ge @!p0 [sflag:s0], s1  }
0x223: {  	s1 =	ssub.s32 @!p0 $0x0, s1;
	[sflag:s0] =	ssyncset.done @!p0 $0x0  }
0x224: {  	[sflag:s0] =	ssyncadd.s32 @!p0 s1  }
0x225: {  	[bflag:$0x3] =	sbarrier.arrive $0xFFFF  }
0x226: {  	_ =	shalt  }

</sc_bundles>
